<compile_context>
chip_gen: v7x
topology: tpu7x:2x2x1
jax: 0.10.2.dev20260603
libtpu: 0.0.44.dev20260713+nightly
codegen_flags: <defaults>
</compile_context>

<pallas_src>
import jax
import jax.numpy as jnp
from jax import lax
from jax.experimental import pallas as pl
from jax.experimental.pallas import tpu as pltpu
from jax.experimental.pallas import tpu_sc as plsc

D = 64
B_TOK = 4096 * 200
IDX_MINOR = 128
N_IDX_ROWS = B_TOK // IDX_MINOR
NC, NS = 2, 16
NW = NC * NS
ROWS_PER_W = N_IDX_ROWS // NW
J = 4
CHUNK = J * IDX_MINOR
N_CHUNKS = ROWS_PER_W // J
NBUF = 3


def _emb_body(idx_hbm, table_hbm, out_hbm, idx_v, rows_v, *sems):
    gsems = sems[:NBUF]
    wsems = sems[NBUF:]
    wid = lax.axis_index("s") * NC + lax.axis_index("c")
    base_row = wid * ROWS_PER_W

    pltpu.sync_copy(idx_hbm.at[pl.ds(base_row, ROWS_PER_W)], idx_v)

    def fire_g(g, b):
        for j in range(J):
            pltpu.async_copy(
                table_hbm.at[idx_v.at[g * J + j]],
                rows_v.at[b, pl.ds(j * IDX_MINOR, IDX_MINOR)],
                gsems[b],
            )

    def drain_g(b):
        pltpu.make_async_copy(
            out_hbm.at[pl.ds(0, CHUNK)], rows_v.at[b], gsems[b]
        ).wait()

    def fire_w(g, b):
        pltpu.async_copy(
            rows_v.at[b],
            out_hbm.at[pl.ds((base_row + g * J) * IDX_MINOR, CHUNK)],
            wsems[b],
        )

    def drain_w(b):
        pltpu.make_async_copy(
            rows_v.at[b], out_hbm.at[pl.ds(0, CHUNK)], wsems[b]
        ).wait()

    def step(g, b, fire_next, drain_prev):
        drain_g(b)
        fire_w(g, b)
        bn = (b + 2) % NBUF
        if drain_prev:
            drain_w(bn)
        if fire_next:
            fire_g(g + NBUF - 1, bn)

    fire_g(0, 0)
    fire_g(1, 1)
    step(0, 0, True, False)

    def body(k, carry):
        g = 3 * k + 1
        step(g, 1, True, True)
        step(g + 1, 2, True, True)
        step(g + 2, 0, True, True)
        return carry

    lax.fori_loop(0, (N_CHUNKS - 5) // 3, body, 0)

    step(N_CHUNKS - 4, 1, True, True)
    step(N_CHUNKS - 3, 2, True, True)
    step(N_CHUNKS - 2, 0, False, True)
    step(N_CHUNKS - 1, 1, False, True)
    drain_w((N_CHUNKS - 1) % NBUF)


def kernel(token_ids, table):
    idx = token_ids.reshape(N_IDX_ROWS, IDX_MINOR).astype(jnp.int32)
    mesh = plsc.VectorSubcoreMesh(core_axis_name="c", subcore_axis_name="s")
    out = pl.kernel(
        _emb_body,
        out_type=jax.ShapeDtypeStruct((B_TOK, D), jnp.float32),
        mesh=mesh,
        compiler_params=pltpu.CompilerParams(use_tc_tiling_on_sc=False),
        scratch_types=[
            pltpu.VMEM((ROWS_PER_W, IDX_MINOR), jnp.int32),
            pltpu.VMEM((NBUF, CHUNK, D), jnp.float32),
        ]
        + [pltpu.SemaphoreType.DMA] * (2 * NBUF),
    )(idx, table)
    return out.reshape(token_ids.shape[0], token_ids.shape[1], D)

# --- scband reference (transcript-rebuilt; emitter-appended) ---
"""Pipeline reference for scband-token-embeddings-14757507629202 (READ-ONLY COPY).

The authoritative reference and input builder live on the scoring server;
editing this copy changes nothing except your own understanding.
"""

import jax, jax.numpy as jnp
import numpy as np

VOCAB = 100000
EMBED_DIM = 64
PAD_IDX = 0

def setup_inputs(seed: int = 0) -> dict:
    key = jax.random.key(seed)
    k1, k2 = jax.random.split(key)
    token_ids = jax.random.randint(k1, (4096, 200), 0, VOCAB, dtype=jnp.int64)
    table = jax.random.normal(k2, (VOCAB, EMBED_DIM), dtype=jnp.float32)
    # nn.Embedding with padding_idx zeroes that row at init
    table = table.at[PAD_IDX].set(0.0)
    return {"token_ids": token_ids, "table": table}

def reference(token_ids, table):
    # Faithful to nn.Embedding(padding_idx=PAD_IDX): pad row is zero
    t = table.at[PAD_IDX].set(0.0)
    out = jnp.take(t, token_ids, axis=0)
    return out

if __name__ == "__main__":
    import jax
    _d = setup_inputs()
    print(jax.jit(kernel)(*tuple(_d.values())))

</pallas_src>

<mosaic_0001>
#map = affine_map<(d0, d1) -> (0, 0)>
module attributes {stable_mosaic.version = 14 : i64} {
  func.func @_emb_body(%arg0: i32, %arg1: i32, %arg2: memref<6400x128xi32, #tpu.memory_space<hbm>>, %arg3: memref<100000x64xf32, #tpu.memory_space<hbm>>, %arg4: memref<819200x64xf32, #tpu.memory_space<hbm>>, %arg5: memref<200x128xi32, #tpu.memory_space<vmem>>, %arg6: memref<3x512x64xf32, #tpu.memory_space<vmem>>, %arg7: memref<!tpu.dma_semaphore, #tpu.memory_space<semaphore_mem>>, %arg8: memref<!tpu.dma_semaphore, #tpu.memory_space<semaphore_mem>>, %arg9: memref<!tpu.dma_semaphore, #tpu.memory_space<semaphore_mem>>, %arg10: memref<!tpu.dma_semaphore, #tpu.memory_space<semaphore_mem>>, %arg11: memref<!tpu.dma_semaphore, #tpu.memory_space<semaphore_mem>>, %arg12: memref<!tpu.dma_semaphore, #tpu.memory_space<semaphore_mem>>) attributes {dimension_semantics = [#tpu.dimension_semantics<core_parallel>, #tpu.dimension_semantics<subcore_parallel>], iteration_bounds = array<i64: 2, 16>, scalar_prefetch = 0 : i64, scratch_operands = 8 : i64, tpu.core_type = #tpu.core_type<sc_vector_subcore>, window_params = [{transform_indices = #map}, {transform_indices = #map}, {transform_indices = #map}]} {
    %mul3A = arith.constant 2 : i32
    %mul3A_0 = arith.muli %arg1, %mul3A : i32
    %add3A = arith.addi %mul3A_0, %arg0 : i32
    %mul3A_1 = arith.constant 200 : i32
    %mul3A_2 = arith.muli %add3A, %mul3A_1 : i32
    "tpu.region"() ({
      %run_scoped3A = tpu.sem_alloc : memref<!tpu.dma_semaphore, #tpu.memory_space<semaphore_mem>>
      %dma_start3A_481 = arith.constant 0 : i32
      %dma_start3A_482 = tpu.memref_slice %arg2[%mul3A_2, %dma_start3A_481] : memref<6400x128xi32, #tpu.memory_space<hbm>> -> memref<200x128xi32, #tpu.memory_space<hbm>>
      %dma_start3A_483 = arith.constant 0 : i32
      %dma_start3A_484 = tpu.memref_slice %arg2[%mul3A_2, %dma_start3A_483] : memref<6400x128xi32, #tpu.memory_space<hbm>> -> memref<200x128xi32, #tpu.memory_space<hbm>>
      tpu.enqueue_dma source(%dma_start3A_484 : memref<200x128xi32, #tpu.memory_space<hbm>>) target(%arg5 : memref<200x128xi32, #tpu.memory_space<vmem>>) target_semaphore(%run_scoped3A : memref<!tpu.dma_semaphore, #tpu.memory_space<semaphore_mem>>)
      %dma_wait3A_485 = arith.constant 0 : i32
      %dma_wait3A_486 = tpu.memref_slice %arg2[%mul3A_2, %dma_wait3A_485] : memref<6400x128xi32, #tpu.memory_space<hbm>> -> memref<200x128xi32, #tpu.memory_space<hbm>>
      %dma_wait3A_487 = arith.constant 0 : i32
      %dma_wait3A_488 = tpu.memref_slice %arg2[%mul3A_2, %dma_wait3A_487] : memref<6400x128xi32, #tpu.memory_space<hbm>> -> memref<200x128xi32, #tpu.memory_space<hbm>>
      tpu.wait_dma2 semaphore(%run_scoped3A : memref<!tpu.dma_semaphore, #tpu.memory_space<semaphore_mem>>) src(%dma_wait3A_488 : memref<200x128xi32, #tpu.memory_space<hbm>>) dst(%arg5 : memref<200x128xi32, #tpu.memory_space<vmem>>)
      tpu.yield
    }) : () -> ()
    %dma_start3A = arith.constant 0 : i32
    %dma_start3A_3 = arith.constant 0 : i32
    %dma_start3A_4 = arith.constant 0 : i32
    %dma_start3A_5 = arith.constant 0 : i32
    %dma_start3A_6 = tpu.memref_slice %arg6[%dma_start3A_3, %dma_start3A_4, %dma_start3A_5] : memref<3x512x64xf32, #tpu.memory_space<vmem>> -> memref<1x128x64xf32, #tpu.memory_space<vmem>>
    %dma_start3A_7 = tpu.memref_squeeze %dma_start3A_6 : memref<1x128x64xf32, #tpu.memory_space<vmem>> -> memref<128x64xf32, #tpu.memory_space<vmem>>
    %dma_start3A_8 = arith.constant 0 : i32
    %dma_start3A_9 = tpu.memref_slice %arg5[%dma_start3A, %dma_start3A_8] : memref<200x128xi32, #tpu.memory_space<vmem>> -> memref<1x128xi32, #tpu.memory_space<vmem>>
    %dma_start3A_10 = tpu.memref_squeeze %dma_start3A_9 : memref<1x128xi32, #tpu.memory_space<vmem>> -> memref<128xi32, #tpu.memory_space<vmem>>
    %dma_start3A_11 = arith.constant 0 : i32
    %dma_start3A_12 = arith.constant 0 : i32
    %dma_start3A_13 = tpu.memref_slice %arg3[%dma_start3A_11, %dma_start3A_12] : memref<100000x64xf32, #tpu.memory_space<hbm>> -> memref<100000x64xf32, #tpu.memory_space<hbm>>
    tpu.enqueue_indirect_dma source(%dma_start3A_13 : memref<100000x64xf32, #tpu.memory_space<hbm>>) target(%dma_start3A_7 : memref<128x64xf32, #tpu.memory_space<vmem>>) offsets(%dma_start3A_10 : memref<128xi32, #tpu.memory_space<vmem>>) semaphore(%arg7 : memref<!tpu.dma_semaphore, #tpu.memory_space<semaphore_mem>>)
    %dma_start3A_14 = arith.constant 1 : i32
    %dma_start3A_15 = arith.constant 0 : i32
    %dma_start3A_16 = arith.constant 128 : i32
    %dma_start3A_17 = arith.constant 0 : i32
    %dma_start3A_18 = tpu.memref_slice %arg6[%dma_start3A_15, %dma_start3A_16, %dma_start3A_17] : memref<3x512x64xf32, #tpu.memory_space<vmem>> -> memref<1x128x64xf32, #tpu.memory_space<vmem>>
    %dma_start3A_19 = tpu.memref_squeeze %dma_start3A_18 : memref<1x128x64xf32, #tpu.memory_space<vmem>> -> memref<128x64xf32, #tpu.memory_space<vmem>>
    %dma_start3A_20 = arith.constant 0 : i32
    %dma_start3A_21 = tpu.memref_slice %arg5[%dma_start3A_14, %dma_start3A_20] : memref<200x128xi32, #tpu.memory_space<vmem>> -> memref<1x128xi32, #tpu.memory_space<vmem>>
    %dma_start3A_22 = tpu.memref_squeeze %dma_start3A_21 : memref<1x128xi32, #tpu.memory_space<vmem>> -> memref<128xi32, #tpu.memory_space<vmem>>
    %dma_start3A_23 = arith.constant 0 : i32
    %dma_start3A_24 = arith.constant 0 : i32
    %dma_start3A_25 = tpu.memref_slice %arg3[%dma_start3A_23, %dma_start3A_24] : memref<100000x64xf32, #tpu.memory_space<hbm>> -> memref<100000x64xf32, #tpu.memory_space<hbm>>
    tpu.enqueue_indirect_dma source(%dma_start3A_25 : memref<100000x64xf32, #tpu.memory_space<hbm>>) target(%dma_start3A_19 : memref<128x64xf32, #tpu.memory_space<vmem>>) offsets(%dma_start3A_22 : memref<128xi32, #tpu.memory_space<vmem>>) semaphore(%arg7 : memref<!tpu.dma_semaphore, #tpu.memory_space<semaphore_mem>>)
    %dma_start3A_26 = arith.constant 2 : i32
    %dma_start3A_27 = arith.constant 0 : i32
    %dma_start3A_28 = arith.constant 256 : i32
    %dma_start3A_29 = arith.constant 0 : i32
    %dma_start3A_30 = tpu.memref_slice %arg6[%dma_start3A_27, %dma_start3A_28, %dma_start3A_29] : memref<3x512x64xf32, #tpu.memory_space<vmem>> -> memref<1x128x64xf32, #tpu.memory_space<vmem>>
    %dma_start3A_31 = tpu.memref_squeeze %dma_start3A_30 : memref<1x128x64xf32, #tpu.memory_space<vmem>> -> memref<128x64xf32, #tpu.memory_space<vmem>>
    %dma_start3A_32 = arith.constant 0 : i32
    %dma_start3A_33 = tpu.memref_slice %arg5[%dma_start3A_26, %dma_start3A_32] : memref<200x128xi32, #tpu.memory_space<vmem>> -> memref<1x128xi32, #tpu.memory_space<vmem>>
    %dma_start3A_34 = tpu.memref_squeeze %dma_start3A_33 : memref<1x128xi32, #tpu.memory_space<vmem>> -> memref<128xi32, #tpu.memory_space<vmem>>
    %dma_start3A_35 = arith.constant 0 : i32
    %dma_start3A_36 = arith.constant 0 : i32
    %dma_start3A_37 = tpu.memref_slice %arg3[%dma_start3A_35, %dma_start3A_36] : memref<100000x64xf32, #tpu.memory_space<hbm>> -> memref<100000x64xf32, #tpu.memory_space<hbm>>
    tpu.enqueue_indirect_dma source(%dma_start3A_37 : memref<100000x64xf32, #tpu.memory_space<hbm>>) target(%dma_start3A_31 : memref<128x64xf32, #tpu.memory_space<vmem>>) offsets(%dma_start3A_34 : memref<128xi32, #tpu.memory_space<vmem>>) semaphore(%arg7 : memref<!tpu.dma_semaphore, #tpu.memory_space<semaphore_mem>>)
    %dma_start3A_38 = arith.constant 3 : i32
    %dma_start3A_39 = arith.constant 0 : i32
    %dma_start3A_40 = arith.constant 384 : i32
    %dma_start3A_41 = arith.constant 0 : i32
    %dma_start3A_42 = tpu.memref_slice %arg6[%dma_start3A_39, %dma_start3A_40, %dma_start3A_41] : memref<3x512x64xf32, #tpu.memory_space<vmem>> -> memref<1x128x64xf32, #tpu.memory_space<vmem>>
    %dma_start3A_43 = tpu.memref_squeeze %dma_start3A_42 : memref<1x128x64xf32, #tpu.memory_space<vmem>> -> memref<128x64xf32, #tpu.memory_space<vmem>>
    %dma_start3A_44 = arith.constant 0 : i32
    %dma_start3A_45 = tpu.memref_slice %arg5[%dma_start3A_38, %dma_start3A_44] : memref<200x128xi32, #tpu.memory_space<vmem>> -> memref<1x128xi32, #tpu.memory_space<vmem>>
    %dma_start3A_46 = tpu.memref_squeeze %dma_start3A_45 : memref<1x128xi32, #tpu.memory_space<vmem>> -> memref<128xi32, #tpu.memory_space<vmem>>
    %dma_start3A_47 = arith.constant 0 : i32
    %dma_start3A_48 = arith.constant 0 : i32
    %dma_start3A_49 = tpu.memref_slice %arg3[%dma_start3A_47, %dma_start3A_48] : memref<100000x64xf32, #tpu.memory_space<hbm>> -> memref<100000x64xf32, #tpu.memory_space<hbm>>
    tpu.enqueue_indirect_dma source(%dma_start3A_49 : memref<100000x64xf32, #tpu.memory_space<hbm>>) target(%dma_start3A_43 : memref<128x64xf32, #tpu.memory_space<vmem>>) offsets(%dma_start3A_46 : memref<128xi32, #tpu.memory_space<vmem>>) semaphore(%arg7 : memref<!tpu.dma_semaphore, #tpu.memory_space<semaphore_mem>>)
    %dma_start3A_50 = arith.constant 4 : i32
    %dma_start3A_51 = arith.constant 1 : i32
    %dma_start3A_52 = arith.constant 0 : i32
    %dma_start3A_53 = arith.constant 0 : i32
    %dma_start3A_54 = tpu.memref_slice %arg6[%dma_start3A_51, %dma_start3A_52, %dma_start3A_53] : memref<3x512x64xf32, #tpu.memory_space<vmem>> -> memref<1x128x64xf32, #tpu.memory_space<vmem>>
    %dma_start3A_55 = tpu.memref_squeeze %dma_start3A_54 : memref<1x128x64xf32, #tpu.memory_space<vmem>> -> memref<128x64xf32, #tpu.memory_space<vmem>>
    %dma_start3A_56 = arith.constant 0 : i32
    %dma_start3A_57 = tpu.memref_slice %arg5[%dma_start3A_50, %dma_start3A_56] : memref<200x128xi32, #tpu.memory_space<vmem>> -> memref<1x128xi32, #tpu.memory_space<vmem>>
    %dma_start3A_58 = tpu.memref_squeeze %dma_start3A_57 : memref<1x128xi32, #tpu.memory_space<vmem>> -> memref<128xi32, #tpu.memory_space<vmem>>
    %dma_start3A_59 = arith.constant 0 : i32
    %dma_start3A_60 = arith.constant 0 : i32
    %dma_start3A_61 = tpu.memref_slice %arg3[%dma_start3A_59, %dma_start3A_60] : memref<100000x64xf32, #tpu.memory_space<hbm>> -> memref<100000x64xf32, #tpu.memory_space<hbm>>
    tpu.enqueue_indirect_dma source(%dma_start3A_61 : memref<100000x64xf32, #tpu.memory_space<hbm>>) target(%dma_start3A_55 : memref<128x64xf32, #tpu.memory_space<vmem>>) offsets(%dma_start3A_58 : memref<128xi32, #tpu.memory_space<vmem>>) semaphore(%arg8 : memref<!tpu.dma_semaphore, #tpu.memory_space<semaphore_mem>>)
    %dma_start3A_62 = arith.constant 5 : i32
    %dma_start3A_63 = arith.constant 1 : i32
    %dma_start3A_64 = arith.constant 128 : i32
    %dma_start3A_65 = arith.constant 0 : i32
    %dma_start3A_66 = tpu.memref_slice %arg6[%dma_start3A_63, %dma_start3A_64, %dma_start3A_65] : memref<3x512x64xf32, #tpu.memory_space<vmem>> -> memref<1x128x64xf32, #tpu.memory_space<vmem>>
    %dma_start3A_67 = tpu.memref_squeeze %dma_start3A_66 : memref<1x128x64xf32, #tpu.memory_space<vmem>> -> memref<128x64xf32, #tpu.memory_space<vmem>>
    %dma_start3A_68 = arith.constant 0 : i32
    %dma_start3A_69 = tpu.memref_slice %arg5[%dma_start3A_62, %dma_start3A_68] : memref<200x128xi32, #tpu.memory_space<vmem>> -> memref<1x128xi32, #tpu.memory_space<vmem>>
    %dma_start3A_70 = tpu.memref_squeeze %dma_start3A_69 : memref<1x128xi32, #tpu.memory_space<vmem>> -> memref<128xi32, #tpu.memory_space<vmem>>
    %dma_start3A_71 = arith.constant 0 : i32
    %dma_start3A_72 = arith.constant 0 : i32
    %dma_start3A_73 = tpu.memref_slice %arg3[%dma_start3A_71, %dma_start3A_72] : memref<100000x64xf32, #tpu.memory_space<hbm>> -> memref<100000x64xf32, #tpu.memory_space<hbm>>
    tpu.enqueue_indirect_dma source(%dma_start3A_73 : memref<100000x64xf32, #tpu.memory_space<hbm>>) target(%dma_start3A_67 : memref<128x64xf32, #tpu.memory_space<vmem>>) offsets(%dma_start3A_70 : memref<128xi32, #tpu.memory_space<vmem>>) semaphore(%arg8 : memref<!tpu.dma_semaphore, #tpu.memory_space<semaphore_mem>>)
    %dma_start3A_74 = arith.constant 6 : i32
    %dma_start3A_75 = arith.constant 1 : i32
    %dma_start3A_76 = arith.constant 256 : i32
    %dma_start3A_77 = arith.constant 0 : i32
    %dma_start3A_78 = tpu.memref_slice %arg6[%dma_start3A_75, %dma_start3A_76, %dma_start3A_77] : memref<3x512x64xf32, #tpu.memory_space<vmem>> -> memref<1x128x64xf32, #tpu.memory_space<vmem>>
    %dma_start3A_79 = tpu.memref_squeeze %dma_start3A_78 : memref<1x128x64xf32, #tpu.memory_space<vmem>> -> memref<128x64xf32, #tpu.memory_space<vmem>>
    %dma_start3A_80 = arith.constant 0 : i32
    %dma_start3A_81 = tpu.memref_slice %arg5[%dma_start3A_74, %dma_start3A_80] : memref<200x128xi32, #tpu.memory_space<vmem>> -> memref<1x128xi32, #tpu.memory_space<vmem>>
    %dma_start3A_82 = tpu.memref_squeeze %dma_start3A_81 : memref<1x128xi32, #tpu.memory_space<vmem>> -> memref<128xi32, #tpu.memory_space<vmem>>
    %dma_start3A_83 = arith.constant 0 : i32
    %dma_start3A_84 = arith.constant 0 : i32
    %dma_start3A_85 = tpu.memref_slice %arg3[%dma_start3A_83, %dma_start3A_84] : memref<100000x64xf32, #tpu.memory_space<hbm>> -> memref<100000x64xf32, #tpu.memory_space<hbm>>
    tpu.enqueue_indirect_dma source(%dma_start3A_85 : memref<100000x64xf32, #tpu.memory_space<hbm>>) target(%dma_start3A_79 : memref<128x64xf32, #tpu.memory_space<vmem>>) offsets(%dma_start3A_82 : memref<128xi32, #tpu.memory_space<vmem>>) semaphore(%arg8 : memref<!tpu.dma_semaphore, #tpu.memory_space<semaphore_mem>>)
    %dma_start3A_86 = arith.constant 7 : i32
    %dma_start3A_87 = arith.constant 1 : i32
    %dma_start3A_88 = arith.constant 384 : i32
    %dma_start3A_89 = arith.constant 0 : i32
    %dma_start3A_90 = tpu.memref_slice %arg6[%dma_start3A_87, %dma_start3A_88, %dma_start3A_89] : memref<3x512x64xf32, #tpu.memory_space<vmem>> -> memref<1x128x64xf32, #tpu.memory_space<vmem>>
    %dma_start3A_91 = tpu.memref_squeeze %dma_start3A_90 : memref<1x128x64xf32, #tpu.memory_space<vmem>> -> memref<128x64xf32, #tpu.memory_space<vmem>>
    %dma_start3A_92 = arith.constant 0 : i32
    %dma_start3A_93 = tpu.memref_slice %arg5[%dma_start3A_86, %dma_start3A_92] : memref<200x128xi32, #tpu.memory_space<vmem>> -> memref<1x128xi32, #tpu.memory_space<vmem>>
    %dma_start3A_94 = tpu.memref_squeeze %dma_start3A_93 : memref<1x128xi32, #tpu.memory_space<vmem>> -> memref<128xi32, #tpu.memory_space<vmem>>
    %dma_start3A_95 = arith.constant 0 : i32
    %dma_start3A_96 = arith.constant 0 : i32
    %dma_start3A_97 = tpu.memref_slice %arg3[%dma_start3A_95, %dma_start3A_96] : memref<100000x64xf32, #tpu.memory_space<hbm>> -> memref<100000x64xf32, #tpu.memory_space<hbm>>
    tpu.enqueue_indirect_dma source(%dma_start3A_97 : memref<100000x64xf32, #tpu.memory_space<hbm>>) target(%dma_start3A_91 : memref<128x64xf32, #tpu.memory_space<vmem>>) offsets(%dma_start3A_94 : memref<128xi32, #tpu.memory_space<vmem>>) semaphore(%arg8 : memref<!tpu.dma_semaphore, #tpu.memory_space<semaphore_mem>>)
    %dma_wait3A = arith.constant 0 : i32
    %dma_wait3A_98 = arith.constant 0 : i32
    %dma_wait3A_99 = arith.constant 0 : i32
    %dma_wait3A_100 = tpu.memref_slice %arg6[%dma_wait3A, %dma_wait3A_98, %dma_wait3A_99] : memref<3x512x64xf32, #tpu.memory_space<vmem>> -> memref<1x512x64xf32, #tpu.memory_space<vmem>>
    %dma_wait3A_101 = tpu.memref_squeeze %dma_wait3A_100 : memref<1x512x64xf32, #tpu.memory_space<vmem>> -> memref<512x64xf32, #tpu.memory_space<vmem>>
    %dma_wait3A_102 = arith.constant 0 : i32
    %dma_wait3A_103 = arith.constant 0 : i32
    %dma_wait3A_104 = tpu.memref_slice %arg4[%dma_wait3A_102, %dma_wait3A_103] : memref<819200x64xf32, #tpu.memory_space<hbm>> -> memref<512x64xf32, #tpu.memory_space<hbm>>
    %dma_wait3A_105 = arith.constant 0 : i32
    %dma_wait3A_106 = arith.constant 0 : i32
    %dma_wait3A_107 = tpu.memref_slice %arg6[%dma_wait3A, %dma_wait3A_105, %dma_wait3A_106] : memref<3x512x64xf32, #tpu.memory_space<vmem>> -> memref<1x512x64xf32, #tpu.memory_space<vmem>>
    %dma_wait3A_108 = tpu.memref_squeeze %dma_wait3A_107 : memref<1x512x64xf32, #tpu.memory_space<vmem>> -> memref<512x64xf32, #tpu.memory_space<vmem>>
    %dma_wait3A_109 = arith.constant 0 : i32
    %dma_wait3A_110 = arith.constant 0 : i32
    %dma_wait3A_111 = tpu.memref_slice %arg4[%dma_wait3A_109, %dma_wait3A_110] : memref<819200x64xf32, #tpu.memory_space<hbm>> -> memref<512x64xf32, #tpu.memory_space<hbm>>
    tpu.wait_dma2 semaphore(%arg7 : memref<!tpu.dma_semaphore, #tpu.memory_space<semaphore_mem>>) src(%dma_wait3A_111 : memref<512x64xf32, #tpu.memory_space<hbm>>) dst(%dma_wait3A_108 : memref<512x64xf32, #tpu.memory_space<vmem>>)
    %add3A_112 = arith.constant 0 : i32
    %add3A_113 = arith.addi %mul3A_2, %add3A_112 : i32
    %mul3A_114 = arith.constant 128 : i32
    %mul3A_115 = arith.muli %add3A_113, %mul3A_114 : i32
    %dma_start3A_116 = arith.constant 0 : i32
    %dma_start3A_117 = arith.constant 0 : i32
    %dma_start3A_118 = arith.constant 0 : i32
    %dma_start3A_119 = tpu.memref_slice %arg6[%dma_start3A_116, %dma_start3A_117, %dma_start3A_118] : memref<3x512x64xf32, #tpu.memory_space<vmem>> -> memref<1x512x64xf32, #tpu.memory_space<vmem>>
    %dma_start3A_120 = tpu.memref_squeeze %dma_start3A_119 : memref<1x512x64xf32, #tpu.memory_space<vmem>> -> memref<512x64xf32, #tpu.memory_space<vmem>>
    %dma_start3A_121 = arith.constant 0 : i32
    %dma_start3A_122 = tpu.memref_slice %arg4[%mul3A_115, %dma_start3A_121] : memref<819200x64xf32, #tpu.memory_space<hbm>> -> memref<512x64xf32, #tpu.memory_space<hbm>>
    %dma_start3A_123 = arith.constant 0 : i32
    %dma_start3A_124 = tpu.memref_slice %arg4[%mul3A_115, %dma_start3A_123] : memref<819200x64xf32, #tpu.memory_space<hbm>> -> memref<512x64xf32, #tpu.memory_space<hbm>>
    %dma_start3A_125 = arith.constant 0 : i32
    %dma_start3A_126 = arith.constant 0 : i32
    %dma_start3A_127 = tpu.memref_slice %arg6[%dma_start3A_116, %dma_start3A_125, %dma_start3A_126] : memref<3x512x64xf32, #tpu.memory_space<vmem>> -> memref<1x512x64xf32, #tpu.memory_space<vmem>>
    %dma_start3A_128 = tpu.memref_squeeze %dma_start3A_127 : memref<1x512x64xf32, #tpu.memory_space<vmem>> -> memref<512x64xf32, #tpu.memory_space<vmem>>
    tpu.enqueue_dma source(%dma_start3A_128 : memref<512x64xf32, #tpu.memory_space<vmem>>) target(%dma_start3A_124 : memref<512x64xf32, #tpu.memory_space<hbm>>) target_semaphore(%arg10 : memref<!tpu.dma_semaphore, #tpu.memory_space<semaphore_mem>>)
    %dma_start3A_129 = arith.constant 8 : i32
    %dma_start3A_130 = arith.constant 2 : i32
    %dma_start3A_131 = arith.constant 0 : i32
    %dma_start3A_132 = arith.constant 0 : i32
    %dma_start3A_133 = tpu.memref_slice %arg6[%dma_start3A_130, %dma_start3A_131, %dma_start3A_132] : memref<3x512x64xf32, #tpu.memory_space<vmem>> -> memref<1x128x64xf32, #tpu.memory_space<vmem>>
    %dma_start3A_134 = tpu.memref_squeeze %dma_start3A_133 : memref<1x128x64xf32, #tpu.memory_space<vmem>> -> memref<128x64xf32, #tpu.memory_space<vmem>>
    %dma_start3A_135 = arith.constant 0 : i32
    %dma_start3A_136 = tpu.memref_slice %arg5[%dma_start3A_129, %dma_start3A_135] : memref<200x128xi32, #tpu.memory_space<vmem>> -> memref<1x128xi32, #tpu.memory_space<vmem>>
    %dma_start3A_137 = tpu.memref_squeeze %dma_start3A_136 : memref<1x128xi32, #tpu.memory_space<vmem>> -> memref<128xi32, #tpu.memory_space<vmem>>
    %dma_start3A_138 = arith.constant 0 : i32
    %dma_start3A_139 = arith.constant 0 : i32
    %dma_start3A_140 = tpu.memref_slice %arg3[%dma_start3A_138, %dma_start3A_139] : memref<100000x64xf32, #tpu.memory_space<hbm>> -> memref<100000x64xf32, #tpu.memory_space<hbm>>
    tpu.enqueue_indirect_dma source(%dma_start3A_140 : memref<100000x64xf32, #tpu.memory_space<hbm>>) target(%dma_start3A_134 : memref<128x64xf32, #tpu.memory_space<vmem>>) offsets(%dma_start3A_137 : memref<128xi32, #tpu.memory_space<vmem>>) semaphore(%arg9 : memref<!tpu.dma_semaphore, #tpu.memory_space<semaphore_mem>>)
    %dma_start3A_141 = arith.constant 9 : i32
    %dma_start3A_142 = arith.constant 2 : i32
    %dma_start3A_143 = arith.constant 128 : i32
    %dma_start3A_144 = arith.constant 0 : i32
    %dma_start3A_145 = tpu.memref_slice %arg6[%dma_start3A_142, %dma_start3A_143, %dma_start3A_144] : memref<3x512x64xf32, #tpu.memory_space<vmem>> -> memref<1x128x64xf32, #tpu.memory_space<vmem>>
    %dma_start3A_146 = tpu.memref_squeeze %dma_start3A_145 : memref<1x128x64xf32, #tpu.memory_space<vmem>> -> memref<128x64xf32, #tpu.memory_space<vmem>>
    %dma_start3A_147 = arith.constant 0 : i32
    %dma_start3A_148 = tpu.memref_slice %arg5[%dma_start3A_141, %dma_start3A_147] : memref<200x128xi32, #tpu.memory_space<vmem>> -> memref<1x128xi32, #tpu.memory_space<vmem>>
    %dma_start3A_149 = tpu.memref_squeeze %dma_start3A_148 : memref<1x128xi32, #tpu.memory_space<vmem>> -> memref<128xi32, #tpu.memory_space<vmem>>
    %dma_start3A_150 = arith.constant 0 : i32
    %dma_start3A_151 = arith.constant 0 : i32
    %dma_start3A_152 = tpu.memref_slice %arg3[%dma_start3A_150, %dma_start3A_151] : memref<100000x64xf32, #tpu.memory_space<hbm>> -> memref<100000x64xf32, #tpu.memory_space<hbm>>
    tpu.enqueue_indirect_dma source(%dma_start3A_152 : memref<100000x64xf32, #tpu.memory_space<hbm>>) target(%dma_start3A_146 : memref<128x64xf32, #tpu.memory_space<vmem>>) offsets(%dma_start3A_149 : memref<128xi32, #tpu.memory_space<vmem>>) semaphore(%arg9 : memref<!tpu.dma_semaphore, #tpu.memory_space<semaphore_mem>>)
    %dma_start3A_153 = arith.constant 10 : i32
    %dma_start3A_154 = arith.constant 2 : i32
    %dma_start3A_155 = arith.constant 256 : i32
    %dma_start3A_156 = arith.constant 0 : i32
    %dma_start3A_157 = tpu.memref_slice %arg6[%dma_start3A_154, %dma_start3A_155, %dma_start3A_156] : memref<3x512x64xf32, #tpu.memory_space<vmem>> -> memref<1x128x64xf32, #tpu.memory_space<vmem>>
    %dma_start3A_158 = tpu.memref_squeeze %dma_start3A_157 : memref<1x128x64xf32, #tpu.memory_space<vmem>> -> memref<128x64xf32, #tpu.memory_space<vmem>>
    %dma_start3A_159 = arith.constant 0 : i32
    %dma_start3A_160 = tpu.memref_slice %arg5[%dma_start3A_153, %dma_start3A_159] : memref<200x128xi32, #tpu.memory_space<vmem>> -> memref<1x128xi32, #tpu.memory_space<vmem>>
    %dma_start3A_161 = tpu.memref_squeeze %dma_start3A_160 : memref<1x128xi32, #tpu.memory_space<vmem>> -> memref<128xi32, #tpu.memory_space<vmem>>
    %dma_start3A_162 = arith.constant 0 : i32
    %dma_start3A_163 = arith.constant 0 : i32
    %dma_start3A_164 = tpu.memref_slice %arg3[%dma_start3A_162, %dma_start3A_163] : memref<100000x64xf32, #tpu.memory_space<hbm>> -> memref<100000x64xf32, #tpu.memory_space<hbm>>
    tpu.enqueue_indirect_dma source(%dma_start3A_164 : memref<100000x64xf32, #tpu.memory_space<hbm>>) target(%dma_start3A_158 : memref<128x64xf32, #tpu.memory_space<vmem>>) offsets(%dma_start3A_161 : memref<128xi32, #tpu.memory_space<vmem>>) semaphore(%arg9 : memref<!tpu.dma_semaphore, #tpu.memory_space<semaphore_mem>>)
    %dma_start3A_165 = arith.constant 11 : i32
    %dma_start3A_166 = arith.constant 2 : i32
    %dma_start3A_167 = arith.constant 384 : i32
    %dma_start3A_168 = arith.constant 0 : i32
    %dma_start3A_169 = tpu.memref_slice %arg6[%dma_start3A_166, %dma_start3A_167, %dma_start3A_168] : memref<3x512x64xf32, #tpu.memory_space<vmem>> -> memref<1x128x64xf32, #tpu.memory_space<vmem>>
    %dma_start3A_170 = tpu.memref_squeeze %dma_start3A_169 : memref<1x128x64xf32, #tpu.memory_space<vmem>> -> memref<128x64xf32, #tpu.memory_space<vmem>>
    %dma_start3A_171 = arith.constant 0 : i32
    %dma_start3A_172 = tpu.memref_slice %arg5[%dma_start3A_165, %dma_start3A_171] : memref<200x128xi32, #tpu.memory_space<vmem>> -> memref<1x128xi32, #tpu.memory_space<vmem>>
    %dma_start3A_173 = tpu.memref_squeeze %dma_start3A_172 : memref<1x128xi32, #tpu.memory_space<vmem>> -> memref<128xi32, #tpu.memory_space<vmem>>
    %dma_start3A_174 = arith.constant 0 : i32
    %dma_start3A_175 = arith.constant 0 : i32
    %dma_start3A_176 = tpu.memref_slice %arg3[%dma_start3A_174, %dma_start3A_175] : memref<100000x64xf32, #tpu.memory_space<hbm>> -> memref<100000x64xf32, #tpu.memory_space<hbm>>
    tpu.enqueue_indirect_dma source(%dma_start3A_176 : memref<100000x64xf32, #tpu.memory_space<hbm>>) target(%dma_start3A_170 : memref<128x64xf32, #tpu.memory_space<vmem>>) offsets(%dma_start3A_173 : memref<128xi32, #tpu.memory_space<vmem>>) semaphore(%arg9 : memref<!tpu.dma_semaphore, #tpu.memory_space<semaphore_mem>>)
    %scan3A = arith.constant 0 : i32
    %scan3A_177 = arith.constant 0 : i32
    %scan3A_178 = arith.constant 15 : i32
    %scan3A_179 = arith.addi %scan3A_177, %scan3A_178 : i32
    %scan3A_180 = arith.constant 1 : i32
    scf.for %scan3A_481 = %scan3A_177 to %scan3A_179 step %scan3A_180  : i32 {
      %mul3A_482 = arith.constant 3 : i32
      %mul3A_483 = arith.muli %mul3A_482, %scan3A_481 : i32
      %add3A_484 = arith.constant 1 : i32
      %add3A_485 = arith.addi %mul3A_483, %add3A_484 : i32
      %dma_wait3A_486 = arith.constant 1 : i32
      %dma_wait3A_487 = arith.constant 0 : i32
      %dma_wait3A_488 = arith.constant 0 : i32
      %dma_wait3A_489 = tpu.memref_slice %arg6[%dma_wait3A_486, %dma_wait3A_487, %dma_wait3A_488] : memref<3x512x64xf32, #tpu.memory_space<vmem>> -> memref<1x512x64xf32, #tpu.memory_space<vmem>>
      %dma_wait3A_490 = tpu.memref_squeeze %dma_wait3A_489 : memref<1x512x64xf32, #tpu.memory_space<vmem>> -> memref<512x64xf32, #tpu.memory_space<vmem>>
      %dma_wait3A_491 = arith.constant 0 : i32
      %dma_wait3A_492 = arith.constant 0 : i32
      %dma_wait3A_493 = tpu.memref_slice %arg4[%dma_wait3A_491, %dma_wait3A_492] : memref<819200x64xf32, #tpu.memory_space<hbm>> -> memref<512x64xf32, #tpu.memory_space<hbm>>
      %dma_wait3A_494 = arith.constant 0 : i32
      %dma_wait3A_495 = arith.constant 0 : i32
      %dma_wait3A_496 = tpu.memref_slice %arg6[%dma_wait3A_486, %dma_wait3A_494, %dma_wait3A_495] : memref<3x512x64xf32, #tpu.memory_space<vmem>> -> memref<1x512x64xf32, #tpu.memory_space<vmem>>
      %dma_wait3A_497 = tpu.memref_squeeze %dma_wait3A_496 : memref<1x512x64xf32, #tpu.memory_space<vmem>> -> memref<512x64xf32, #tpu.memory_space<vmem>>
      %dma_wait3A_498 = arith.constant 0 : i32
      %dma_wait3A_499 = arith.constant 0 : i32
      %dma_wait3A_500 = tpu.memref_slice %arg4[%dma_wait3A_498, %dma_wait3A_499] : memref<819200x64xf32, #tpu.memory_space<hbm>> -> memref<512x64xf32, #tpu.memory_space<hbm>>
      tpu.wait_dma2 semaphore(%arg8 : memref<!tpu.dma_semaphore, #tpu.memory_space<semaphore_mem>>) src(%dma_wait3A_500 : memref<512x64xf32, #tpu.memory_space<hbm>>) dst(%dma_wait3A_497 : memref<512x64xf32, #tpu.memory_space<vmem>>)
      %mul3A_501 = arith.constant 4 : i32
      %mul3A_502 = arith.muli %add3A_485, %mul3A_501 : i32
      %add3A_503 = arith.addi %mul3A_2, %mul3A_502 : i32
      %mul3A_504 = arith.constant 128 : i32
      %mul3A_505 = arith.muli %add3A_503, %mul3A_504 : i32
      %dma_start3A_506 = arith.constant 1 : i32
      %dma_start3A_507 = arith.constant 0 : i32
      %dma_start3A_508 = arith.constant 0 : i32
      %dma_start3A_509 = tpu.memref_slice %arg6[%dma_start3A_506, %dma_start3A_507, %dma_start3A_508] : memref<3x512x64xf32, #tpu.memory_space<vmem>> -> memref<1x512x64xf32, #tpu.memory_space<vmem>>
      %dma_start3A_510 = tpu.memref_squeeze %dma_start3A_509 : memref<1x512x64xf32, #tpu.memory_space<vmem>> -> memref<512x64xf32, #tpu.memory_space<vmem>>
      %dma_start3A_511 = arith.constant 0 : i32
      %dma_start3A_512 = tpu.memref_slice %arg4[%mul3A_505, %dma_start3A_511] : memref<819200x64xf32, #tpu.memory_space<hbm>> -> memref<512x64xf32, #tpu.memory_space<hbm>>
      %dma_start3A_513 = arith.constant 0 : i32
      %dma_start3A_514 = tpu.memref_slice %arg4[%mul3A_505, %dma_start3A_513] : memref<819200x64xf32, #tpu.memory_space<hbm>> -> memref<512x64xf32, #tpu.memory_space<hbm>>
      %dma_start3A_515 = arith.constant 0 : i32
      %dma_start3A_516 = arith.constant 0 : i32
      %dma_start3A_517 = tpu.memref_slice %arg6[%dma_start3A_506, %dma_start3A_515, %dma_start3A_516] : memref<3x512x64xf32, #tpu.memory_space<vmem>> -> memref<1x512x64xf32, #tpu.memory_space<vmem>>
      %dma_start3A_518 = tpu.memref_squeeze %dma_start3A_517 : memref<1x512x64xf32, #tpu.memory_space<vmem>> -> memref<512x64xf32, #tpu.memory_space<vmem>>
      tpu.enqueue_dma source(%dma_start3A_518 : memref<512x64xf32, #tpu.memory_space<vmem>>) target(%dma_start3A_514 : memref<512x64xf32, #tpu.memory_space<hbm>>) target_semaphore(%arg11 : memref<!tpu.dma_semaphore, #tpu.memory_space<semaphore_mem>>)
      %dma_wait3A_519 = arith.constant 0 : i32
      %dma_wait3A_520 = arith.constant 0 : i32
      %dma_wait3A_521 = arith.constant 0 : i32
      %dma_wait3A_522 = tpu.memref_slice %arg6[%dma_wait3A_519, %dma_wait3A_520, %dma_wait3A_521] : memref<3x512x64xf32, #tpu.memory_space<vmem>> -> memref<1x512x64xf32, #tpu.memory_space<vmem>>
      %dma_wait3A_523 = tpu.memref_squeeze %dma_wait3A_522 : memref<1x512x64xf32, #tpu.memory_space<vmem>> -> memref<512x64xf32, #tpu.memory_space<vmem>>
      %dma_wait3A_524 = arith.constant 0 : i32
      %dma_wait3A_525 = arith.constant 0 : i32
      %dma_wait3A_526 = tpu.memref_slice %arg4[%dma_wait3A_524, %dma_wait3A_525] : memref<819200x64xf32, #tpu.memory_space<hbm>> -> memref<512x64xf32, #tpu.memory_space<hbm>>
      %dma_wait3A_527 = arith.constant 0 : i32
      %dma_wait3A_528 = arith.constant 0 : i32
      %dma_wait3A_529 = tpu.memref_slice %arg4[%dma_wait3A_527, %dma_wait3A_528] : memref<819200x64xf32, #tpu.memory_space<hbm>> -> memref<512x64xf32, #tpu.memory_space<hbm>>
      %dma_wait3A_530 = arith.constant 0 : i32
      %dma_wait3A_531 = arith.constant 0 : i32
      %dma_wait3A_532 = tpu.memref_slice %arg6[%dma_wait3A_519, %dma_wait3A_530, %dma_wait3A_531] : memref<3x512x64xf32, #tpu.memory_space<vmem>> -> memref<1x512x64xf32, #tpu.memory_space<vmem>>
      %dma_wait3A_533 = tpu.memref_squeeze %dma_wait3A_532 : memref<1x512x64xf32, #tpu.memory_space<vmem>> -> memref<512x64xf32, #tpu.memory_space<vmem>>
      tpu.wait_dma2 semaphore(%arg10 : memref<!tpu.dma_semaphore, #tpu.memory_space<semaphore_mem>>) src(%dma_wait3A_533 : memref<512x64xf32, #tpu.memory_space<vmem>>) dst(%dma_wait3A_529 : memref<512x64xf32, #tpu.memory_space<hbm>>)
      %add3A_534 = arith.constant 3 : i32
      %add3A_535 = arith.addi %add3A_485, %add3A_534 : i32
      %sub3A = arith.constant 1 : i32
      %sub3A_536 = arith.subi %add3A_535, %sub3A : i32
      %mul3A_537 = arith.constant 4 : i32
      %mul3A_538 = arith.muli %sub3A_536, %mul3A_537 : i32
      %add3A_539 = arith.constant 0 : i32
      %add3A_540 = arith.addi %mul3A_538, %add3A_539 : i32
      %dma_start3A_541 = arith.constant 0 : i32
      %dma_start3A_542 = arith.constant 0 : i32
      %dma_start3A_543 = arith.constant 0 : i32
      %dma_start3A_544 = tpu.memref_slice %arg6[%dma_start3A_541, %dma_start3A_542, %dma_start3A_543] : memref<3x512x64xf32, #tpu.memory_space<vmem>> -> memref<1x128x64xf32, #tpu.memory_space<vmem>>
      %dma_start3A_545 = tpu.memref_squeeze %dma_start3A_544 : memref<1x128x64xf32, #tpu.memory_space<vmem>> -> memref<128x64xf32, #tpu.memory_space<vmem>>
      %dma_start3A_546 = arith.constant 0 : i32
      %dma_start3A_547 = tpu.memref_slice %arg5[%add3A_540, %dma_start3A_546] : memref<200x128xi32, #tpu.memory_space<vmem>> -> memref<1x128xi32, #tpu.memory_space<vmem>>
      %dma_start3A_548 = tpu.memref_squeeze %dma_start3A_547 : memref<1x128xi32, #tpu.memory_space<vmem>> -> memref<128xi32, #tpu.memory_space<vmem>>
      %dma_start3A_549 = arith.constant 0 : i32
      %dma_start3A_550 = arith.constant 0 : i32
      %dma_start3A_551 = tpu.memref_slice %arg3[%dma_start3A_549, %dma_start3A_550] : memref<100000x64xf32, #tpu.memory_space<hbm>> -> memref<100000x64xf32, #tpu.memory_space<hbm>>
      tpu.enqueue_indirect_dma source(%dma_start3A_551 : memref<100000x64xf32, #tpu.memory_space<hbm>>) target(%dma_start3A_545 : memref<128x64xf32, #tpu.memory_space<vmem>>) offsets(%dma_start3A_548 : memref<128xi32, #tpu.memory_space<vmem>>) semaphore(%arg7 : memref<!tpu.dma_semaphore, #tpu.memory_space<semaphore_mem>>)
      %mul3A_552 = arith.constant 4 : i32
      %mul3A_553 = arith.muli %sub3A_536, %mul3A_552 : i32
      %add3A_554 = arith.constant 1 : i32
      %add3A_555 = arith.addi %mul3A_553, %add3A_554 : i32
      %dma_start3A_556 = arith.constant 0 : i32
      %dma_start3A_557 = arith.constant 128 : i32
      %dma_start3A_558 = arith.constant 0 : i32
      %dma_start3A_559 = tpu.memref_slice %arg6[%dma_start3A_556, %dma_start3A_557, %dma_start3A_558] : memref<3x512x64xf32, #tpu.memory_space<vmem>> -> memref<1x128x64xf32, #tpu.memory_space<vmem>>
      %dma_start3A_560 = tpu.memref_squeeze %dma_start3A_559 : memref<1x128x64xf32, #tpu.memory_space<vmem>> -> memref<128x64xf32, #tpu.memory_space<vmem>>
      %dma_start3A_561 = arith.constant 0 : i32
      %dma_start3A_562 = tpu.memref_slice %arg5[%add3A_555, %dma_start3A_561] : memref<200x128xi32, #tpu.memory_space<vmem>> -> memref<1x128xi32, #tpu.memory_space<vmem>>
      %dma_start3A_563 = tpu.memref_squeeze %dma_start3A_562 : memref<1x128xi32, #tpu.memory_space<vmem>> -> memref<128xi32, #tpu.memory_space<vmem>>
      %dma_start3A_564 = arith.constant 0 : i32
      %dma_start3A_565 = arith.constant 0 : i32
      %dma_start3A_566 = tpu.memref_slice %arg3[%dma_start3A_564, %dma_start3A_565] : memref<100000x64xf32, #tpu.memory_space<hbm>> -> memref<100000x64xf32, #tpu.memory_space<hbm>>
      tpu.enqueue_indirect_dma source(%dma_start3A_566 : memref<100000x64xf32, #tpu.memory_space<hbm>>) target(%dma_start3A_560 : memref<128x64xf32, #tpu.memory_space<vmem>>) offsets(%dma_start3A_563 : memref<128xi32, #tpu.memory_space<vmem>>) semaphore(%arg7 : memref<!tpu.dma_semaphore, #tpu.memory_space<semaphore_mem>>)
      %mul3A_567 = arith.constant 4 : i32
      %mul3A_568 = arith.muli %sub3A_536, %mul3A_567 : i32
      %add3A_569 = arith.constant 2 : i32
      %add3A_570 = arith.addi %mul3A_568, %add3A_569 : i32
      %dma_start3A_571 = arith.constant 0 : i32
      %dma_start3A_572 = arith.constant 256 : i32
      %dma_start3A_573 = arith.constant 0 : i32
      %dma_start3A_574 = tpu.memref_slice %arg6[%dma_start3A_571, %dma_start3A_572, %dma_start3A_573] : memref<3x512x64xf32, #tpu.memory_space<vmem>> -> memref<1x128x64xf32, #tpu.memory_space<vmem>>
      %dma_start3A_575 = tpu.memref_squeeze %dma_start3A_574 : memref<1x128x64xf32, #tpu.memory_space<vmem>> -> memref<128x64xf32, #tpu.memory_space<vmem>>
      %dma_start3A_576 = arith.constant 0 : i32
      %dma_start3A_577 = tpu.memref_slice %arg5[%add3A_570, %dma_start3A_576] : memref<200x128xi32, #tpu.memory_space<vmem>> -> memref<1x128xi32, #tpu.memory_space<vmem>>
      %dma_start3A_578 = tpu.memref_squeeze %dma_start3A_577 : memref<1x128xi32, #tpu.memory_space<vmem>> -> memref<128xi32, #tpu.memory_space<vmem>>
      %dma_start3A_579 = arith.constant 0 : i32
      %dma_start3A_580 = arith.constant 0 : i32
      %dma_start3A_581 = tpu.memref_slice %arg3[%dma_start3A_579, %dma_start3A_580] : memref<100000x64xf32, #tpu.memory_space<hbm>> -> memref<100000x64xf32, #tpu.memory_space<hbm>>
      tpu.enqueue_indirect_dma source(%dma_start3A_581 : memref<100000x64xf32, #tpu.memory_space<hbm>>) target(%dma_start3A_575 : memref<128x64xf32, #tpu.memory_space<vmem>>) offsets(%dma_start3A_578 : memref<128xi32, #tpu.memory_space<vmem>>) semaphore(%arg7 : memref<!tpu.dma_semaphore, #tpu.memory_space<semaphore_mem>>)
      %mul3A_582 = arith.constant 4 : i32
      %mul3A_583 = arith.muli %sub3A_536, %mul3A_582 : i32
      %add3A_584 = arith.constant 3 : i32
      %add3A_585 = arith.addi %mul3A_583, %add3A_584 : i32
      %dma_start3A_586 = arith.constant 0 : i32
      %dma_start3A_587 = arith.constant 384 : i32
      %dma_start3A_588 = arith.constant 0 : i32
      %dma_start3A_589 = tpu.memref_slice %arg6[%dma_start3A_586, %dma_start3A_587, %dma_start3A_588] : memref<3x512x64xf32, #tpu.memory_space<vmem>> -> memref<1x128x64xf32, #tpu.memory_space<vmem>>
      %dma_start3A_590 = tpu.memref_squeeze %dma_start3A_589 : memref<1x128x64xf32, #tpu.memory_space<vmem>> -> memref<128x64xf32, #tpu.memory_space<vmem>>
      %dma_start3A_591 = arith.constant 0 : i32
      %dma_start3A_592 = tpu.memref_slice %arg5[%add3A_585, %dma_start3A_591] : memref<200x128xi32, #tpu.memory_space<vmem>> -> memref<1x128xi32, #tpu.memory_space<vmem>>
      %dma_start3A_593 = tpu.memref_squeeze %dma_start3A_592 : memref<1x128xi32, #tpu.memory_space<vmem>> -> memref<128xi32, #tpu.memory_space<vmem>>
      %dma_start3A_594 = arith.constant 0 : i32
      %dma_start3A_595 = arith.constant 0 : i32
      %dma_start3A_596 = tpu.memref_slice %arg3[%dma_start3A_594, %dma_start3A_595] : memref<100000x64xf32, #tpu.memory_space<hbm>> -> memref<100000x64xf32, #tpu.memory_space<hbm>>
      tpu.enqueue_indirect_dma source(%dma_start3A_596 : memref<100000x64xf32, #tpu.memory_space<hbm>>) target(%dma_start3A_590 : memref<128x64xf32, #tpu.memory_space<vmem>>) offsets(%dma_start3A_593 : memref<128xi32, #tpu.memory_space<vmem>>) semaphore(%arg7 : memref<!tpu.dma_semaphore, #tpu.memory_space<semaphore_mem>>)
      %add3A_597 = arith.constant 1 : i32
      %add3A_598 = arith.addi %add3A_485, %add3A_597 : i32
      %dma_wait3A_599 = arith.constant 2 : i32
      %dma_wait3A_600 = arith.constant 0 : i32
      %dma_wait3A_601 = arith.constant 0 : i32
      %dma_wait3A_602 = tpu.memref_slice %arg6[%dma_wait3A_599, %dma_wait3A_600, %dma_wait3A_601] : memref<3x512x64xf32, #tpu.memory_space<vmem>> -> memref<1x512x64xf32, #tpu.memory_space<vmem>>
      %dma_wait3A_603 = tpu.memref_squeeze %dma_wait3A_602 : memref<1x512x64xf32, #tpu.memory_space<vmem>> -> memref<512x64xf32, #tpu.memory_space<vmem>>
      %dma_wait3A_604 = arith.constant 0 : i32
      %dma_wait3A_605 = arith.constant 0 : i32
      %dma_wait3A_606 = tpu.memref_slice %arg4[%dma_wait3A_604, %dma_wait3A_605] : memref<819200x64xf32, #tpu.memory_space<hbm>> -> memref<512x64xf32, #tpu.memory_space<hbm>>
      %dma_wait3A_607 = arith.constant 0 : i32
      %dma_wait3A_608 = arith.constant 0 : i32
      %dma_wait3A_609 = tpu.memref_slice %arg6[%dma_wait3A_599, %dma_wait3A_607, %dma_wait3A_608] : memref<3x512x64xf32, #tpu.memory_space<vmem>> -> memref<1x512x64xf32, #tpu.memory_space<vmem>>
      %dma_wait3A_610 = tpu.memref_squeeze %dma_wait3A_609 : memref<1x512x64xf32, #tpu.memory_space<vmem>> -> memref<512x64xf32, #tpu.memory_space<vmem>>
      %dma_wait3A_611 = arith.constant 0 : i32
      %dma_wait3A_612 = arith.constant 0 : i32
      %dma_wait3A_613 = tpu.memref_slice %arg4[%dma_wait3A_611, %dma_wait3A_612] : memref<819200x64xf32, #tpu.memory_space<hbm>> -> memref<512x64xf32, #tpu.memory_space<hbm>>
      tpu.wait_dma2 semaphore(%arg9 : memref<!tpu.dma_semaphore, #tpu.memory_space<semaphore_mem>>) src(%dma_wait3A_613 : memref<512x64xf32, #tpu.memory_space<hbm>>) dst(%dma_wait3A_610 : memref<512x64xf32, #tpu.memory_space<vmem>>)
      %mul3A_614 = arith.constant 4 : i32
      %mul3A_615 = arith.muli %add3A_598, %mul3A_614 : i32
      %add3A_616 = arith.addi %mul3A_2, %mul3A_615 : i32
      %mul3A_617 = arith.constant 128 : i32
      %mul3A_618 = arith.muli %add3A_616, %mul3A_617 : i32
      %dma_start3A_619 = arith.constant 2 : i32
      %dma_start3A_620 = arith.constant 0 : i32
      %dma_start3A_621 = arith.constant 0 : i32
      %dma_start3A_622 = tpu.memref_slice %arg6[%dma_start3A_619, %dma_start3A_620, %dma_start3A_621] : memref<3x512x64xf32, #tpu.memory_space<vmem>> -> memref<1x512x64xf32, #tpu.memory_space<vmem>>
      %dma_start3A_623 = tpu.memref_squeeze %dma_start3A_622 : memref<1x512x64xf32, #tpu.memory_space<vmem>> -> memref<512x64xf32, #tpu.memory_space<vmem>>
      %dma_start3A_624 = arith.constant 0 : i32
      %dma_start3A_625 = tpu.memref_slice %arg4[%mul3A_618, %dma_start3A_624] : memref<819200x64xf32, #tpu.memory_space<hbm>> -> memref<512x64xf32, #tpu.memory_space<hbm>>
      %dma_start3A_626 = arith.constant 0 : i32
      %dma_start3A_627 = tpu.memref_slice %arg4[%mul3A_618, %dma_start3A_626] : memref<819200x64xf32, #tpu.memory_space<hbm>> -> memref<512x64xf32, #tpu.memory_space<hbm>>
      %dma_start3A_628 = arith.constant 0 : i32
      %dma_start3A_629 = arith.constant 0 : i32
      %dma_start3A_630 = tpu.memref_slice %arg6[%dma_start3A_619, %dma_start3A_628, %dma_start3A_629] : memref<3x512x64xf32, #tpu.memory_space<vmem>> -> memref<1x512x64xf32, #tpu.memory_space<vmem>>
      %dma_start3A_631 = tpu.memref_squeeze %dma_start3A_630 : memref<1x512x64xf32, #tpu.memory_space<vmem>> -> memref<512x64xf32, #tpu.memory_space<vmem>>
      tpu.enqueue_dma source(%dma_start3A_631 : memref<512x64xf32, #tpu.memory_space<vmem>>) target(%dma_start3A_627 : memref<512x64xf32, #tpu.memory_space<hbm>>) target_semaphore(%arg12 : memref<!tpu.dma_semaphore, #tpu.memory_space<semaphore_mem>>)
      %dma_wait3A_632 = arith.constant 1 : i32
      %dma_wait3A_633 = arith.constant 0 : i32
      %dma_wait3A_634 = arith.constant 0 : i32
      %dma_wait3A_635 = tpu.memref_slice %arg6[%dma_wait3A_632, %dma_wait3A_633, %dma_wait3A_634] : memref<3x512x64xf32, #tpu.memory_space<vmem>> -> memref<1x512x64xf32, #tpu.memory_space<vmem>>
      %dma_wait3A_636 = tpu.memref_squeeze %dma_wait3A_635 : memref<1x512x64xf32, #tpu.memory_space<vmem>> -> memref<512x64xf32, #tpu.memory_space<vmem>>
      %dma_wait3A_637 = arith.constant 0 : i32
      %dma_wait3A_638 = arith.constant 0 : i32
      %dma_wait3A_639 = tpu.memref_slice %arg4[%dma_wait3A_637, %dma_wait3A_638] : memref<819200x64xf32, #tpu.memory_space<hbm>> -> memref<512x64xf32, #tpu.memory_space<hbm>>
      %dma_wait3A_640 = arith.constant 0 : i32
      %dma_wait3A_641 = arith.constant 0 : i32
      %dma_wait3A_642 = tpu.memref_slice %arg4[%dma_wait3A_640, %dma_wait3A_641] : memref<819200x64xf32, #tpu.memory_space<hbm>> -> memref<512x64xf32, #tpu.memory_space<hbm>>
      %dma_wait3A_643 = arith.constant 0 : i32
      %dma_wait3A_644 = arith.constant 0 : i32
      %dma_wait3A_645 = tpu.memref_slice %arg6[%dma_wait3A_632, %dma_wait3A_643, %dma_wait3A_644] : memref<3x512x64xf32, #tpu.memory_space<vmem>> -> memref<1x512x64xf32, #tpu.memory_space<vmem>>
      %dma_wait3A_646 = tpu.memref_squeeze %dma_wait3A_645 : memref<1x512x64xf32, #tpu.memory_space<vmem>> -> memref<512x64xf32, #tpu.memory_space<vmem>>
      tpu.wait_dma2 semaphore(%arg11 : memref<!tpu.dma_semaphore, #tpu.memory_space<semaphore_mem>>) src(%dma_wait3A_646 : memref<512x64xf32, #tpu.memory_space<vmem>>) dst(%dma_wait3A_642 : memref<512x64xf32, #tpu.memory_space<hbm>>)
      %add3A_647 = arith.constant 3 : i32
      %add3A_648 = arith.addi %add3A_598, %add3A_647 : i32
      %sub3A_649 = arith.constant 1 : i32
      %sub3A_650 = arith.subi %add3A_648, %sub3A_649 : i32
      %mul3A_651 = arith.constant 4 : i32
      %mul3A_652 = arith.muli %sub3A_650, %mul3A_651 : i32
      %add3A_653 = arith.constant 0 : i32
      %add3A_654 = arith.addi %mul3A_652, %add3A_653 : i32
      %dma_start3A_655 = arith.constant 1 : i32
      %dma_start3A_656 = arith.constant 0 : i32
      %dma_start3A_657 = arith.constant 0 : i32
      %dma_start3A_658 = tpu.memref_slice %arg6[%dma_start3A_655, %dma_start3A_656, %dma_start3A_657] : memref<3x512x64xf32, #tpu.memory_space<vmem>> -> memref<1x128x64xf32, #tpu.memory_space<vmem>>
      %dma_start3A_659 = tpu.memref_squeeze %dma_start3A_658 : memref<1x128x64xf32, #tpu.memory_space<vmem>> -> memref<128x64xf32, #tpu.memory_space<vmem>>
      %dma_start3A_660 = arith.constant 0 : i32
      %dma_start3A_661 = tpu.memref_slice %arg5[%add3A_654, %dma_start3A_660] : memref<200x128xi32, #tpu.memory_space<vmem>> -> memref<1x128xi32, #tpu.memory_space<vmem>>
      %dma_start3A_662 = tpu.memref_squeeze %dma_start3A_661 : memref<1x128xi32, #tpu.memory_space<vmem>> -> memref<128xi32, #tpu.memory_space<vmem>>
      %dma_start3A_663 = arith.constant 0 : i32
      %dma_start3A_664 = arith.constant 0 : i32
      %dma_start3A_665 = tpu.memref_slice %arg3[%dma_start3A_663, %dma_start3A_664] : memref<100000x64xf32, #tpu.memory_space<hbm>> -> memref<100000x64xf32, #tpu.memory_space<hbm>>
      tpu.enqueue_indirect_dma source(%dma_start3A_665 : memref<100000x64xf32, #tpu.memory_space<hbm>>) target(%dma_start3A_659 : memref<128x64xf32, #tpu.memory_space<vmem>>) offsets(%dma_start3A_662 : memref<128xi32, #tpu.memory_space<vmem>>) semaphore(%arg8 : memref<!tpu.dma_semaphore, #tpu.memory_space<semaphore_mem>>)
      %mul3A_666 = arith.constant 4 : i32
      %mul3A_667 = arith.muli %sub3A_650, %mul3A_666 : i32
      %add3A_668 = arith.constant 1 : i32
      %add3A_669 = arith.addi %mul3A_667, %add3A_668 : i32
      %dma_start3A_670 = arith.constant 1 : i32
      %dma_start3A_671 = arith.constant 128 : i32
      %dma_start3A_672 = arith.constant 0 : i32
      %dma_start3A_673 = tpu.memref_slice %arg6[%dma_start3A_670, %dma_start3A_671, %dma_start3A_672] : memref<3x512x64xf32, #tpu.memory_space<vmem>> -> memref<1x128x64xf32, #tpu.memory_space<vmem>>
      %dma_start3A_674 = tpu.memref_squeeze %dma_start3A_673 : memref<1x128x64xf32, #tpu.memory_space<vmem>> -> memref<128x64xf32, #tpu.memory_space<vmem>>
      %dma_start3A_675 = arith.constant 0 : i32
      %dma_start3A_676 = tpu.memref_slice %arg5[%add3A_669, %dma_start3A_675] : memref<200x128xi32, #tpu.memory_space<vmem>> -> memref<1x128xi32, #tpu.memory_space<vmem>>
      %dma_start3A_677 = tpu.memref_squeeze %dma_start3A_676 : memref<1x128xi32, #tpu.memory_space<vmem>> -> memref<128xi32, #tpu.memory_space<vmem>>
      %dma_start3A_678 = arith.constant 0 : i32
      %dma_start3A_679 = arith.constant 0 : i32
      %dma_start3A_680 = tpu.memref_slice %arg3[%dma_start3A_678, %dma_start3A_679] : memref<100000x64xf32, #tpu.memory_space<hbm>> -> memref<100000x64xf32, #tpu.memory_space<hbm>>
      tpu.enqueue_indirect_dma source(%dma_start3A_680 : memref<100000x64xf32, #tpu.memory_space<hbm>>) target(%dma_start3A_674 : memref<128x64xf32, #tpu.memory_space<vmem>>) offsets(%dma_start3A_677 : memref<128xi32, #tpu.memory_space<vmem>>) semaphore(%arg8 : memref<!tpu.dma_semaphore, #tpu.memory_space<semaphore_mem>>)
      %mul3A_681 = arith.constant 4 : i32
      %mul3A_682 = arith.muli %sub3A_650, %mul3A_681 : i32
      %add3A_683 = arith.constant 2 : i32
      %add3A_684 = arith.addi %mul3A_682, %add3A_683 : i32
      %dma_start3A_685 = arith.constant 1 : i32
      %dma_start3A_686 = arith.constant 256 : i32
      %dma_start3A_687 = arith.constant 0 : i32
      %dma_start3A_688 = tpu.memref_slice %arg6[%dma_start3A_685, %dma_start3A_686, %dma_start3A_687] : memref<3x512x64xf32, #tpu.memory_space<vmem>> -> memref<1x128x64xf32, #tpu.memory_space<vmem>>
      %dma_start3A_689 = tpu.memref_squeeze %dma_start3A_688 : memref<1x128x64xf32, #tpu.memory_space<vmem>> -> memref<128x64xf32, #tpu.memory_space<vmem>>
      %dma_start3A_690 = arith.constant 0 : i32
      %dma_start3A_691 = tpu.memref_slice %arg5[%add3A_684, %dma_start3A_690] : memref<200x128xi32, #tpu.memory_space<vmem>> -> memref<1x128xi32, #tpu.memory_space<vmem>>
      %dma_start3A_692 = tpu.memref_squeeze %dma_start3A_691 : memref<1x128xi32, #tpu.memory_space<vmem>> -> memref<128xi32, #tpu.memory_space<vmem>>
      %dma_start3A_693 = arith.constant 0 : i32
      %dma_start3A_694 = arith.constant 0 : i32
      %dma_start3A_695 = tpu.memref_slice %arg3[%dma_start3A_693, %dma_start3A_694] : memref<100000x64xf32, #tpu.memory_space<hbm>> -> memref<100000x64xf32, #tpu.memory_space<hbm>>
      tpu.enqueue_indirect_dma source(%dma_start3A_695 : memref<100000x64xf32, #tpu.memory_space<hbm>>) target(%dma_start3A_689 : memref<128x64xf32, #tpu.memory_space<vmem>>) offsets(%dma_start3A_692 : memref<128xi32, #tpu.memory_space<vmem>>) semaphore(%arg8 : memref<!tpu.dma_semaphore, #tpu.memory_space<semaphore_mem>>)
      %mul3A_696 = arith.constant 4 : i32
      %mul3A_697 = arith.muli %sub3A_650, %mul3A_696 : i32
      %add3A_698 = arith.constant 3 : i32
      %add3A_699 = arith.addi %mul3A_697, %add3A_698 : i32
      %dma_start3A_700 = arith.constant 1 : i32
      %dma_start3A_701 = arith.constant 384 : i32
      %dma_start3A_702 = arith.constant 0 : i32
      %dma_start3A_703 = tpu.memref_slice %arg6[%dma_start3A_700, %dma_start3A_701, %dma_start3A_702] : memref<3x512x64xf32, #tpu.memory_space<vmem>> -> memref<1x128x64xf32, #tpu.memory_space<vmem>>
      %dma_start3A_704 = tpu.memref_squeeze %dma_start3A_703 : memref<1x128x64xf32, #tpu.memory_space<vmem>> -> memref<128x64xf32, #tpu.memory_space<vmem>>
      %dma_start3A_705 = arith.constant 0 : i32
      %dma_start3A_706 = tpu.memref_slice %arg5[%add3A_699, %dma_start3A_705] : memref<200x128xi32, #tpu.memory_space<vmem>> -> memref<1x128xi32, #tpu.memory_space<vmem>>
      %dma_start3A_707 = tpu.memref_squeeze %dma_start3A_706 : memref<1x128xi32, #tpu.memory_space<vmem>> -> memref<128xi32, #tpu.memory_space<vmem>>
      %dma_start3A_708 = arith.constant 0 : i32
      %dma_start3A_709 = arith.constant 0 : i32
      %dma_start3A_710 = tpu.memref_slice %arg3[%dma_start3A_708, %dma_start3A_709] : memref<100000x64xf32, #tpu.memory_space<hbm>> -> memref<100000x64xf32, #tpu.memory_space<hbm>>
      tpu.enqueue_indirect_dma source(%dma_start3A_710 : memref<100000x64xf32, #tpu.memory_space<hbm>>) target(%dma_start3A_704 : memref<128x64xf32, #tpu.memory_space<vmem>>) offsets(%dma_start3A_707 : memref<128xi32, #tpu.memory_space<vmem>>) semaphore(%arg8 : memref<!tpu.dma_semaphore, #tpu.memory_space<semaphore_mem>>)
      %add3A_711 = arith.constant 2 : i32
      %add3A_712 = arith.addi %add3A_485, %add3A_711 : i32
      %dma_wait3A_713 = arith.constant 0 : i32
      %dma_wait3A_714 = arith.constant 0 : i32
      %dma_wait3A_715 = arith.constant 0 : i32
      %dma_wait3A_716 = tpu.memref_slice %arg6[%dma_wait3A_713, %dma_wait3A_714, %dma_wait3A_715] : memref<3x512x64xf32, #tpu.memory_space<vmem>> -> memref<1x512x64xf32, #tpu.memory_space<vmem>>
      %dma_wait3A_717 = tpu.memref_squeeze %dma_wait3A_716 : memref<1x512x64xf32, #tpu.memory_space<vmem>> -> memref<512x64xf32, #tpu.memory_space<vmem>>
      %dma_wait3A_718 = arith.constant 0 : i32
      %dma_wait3A_719 = arith.constant 0 : i32
      %dma_wait3A_720 = tpu.memref_slice %arg4[%dma_wait3A_718, %dma_wait3A_719] : memref<819200x64xf32, #tpu.memory_space<hbm>> -> memref<512x64xf32, #tpu.memory_space<hbm>>
      %dma_wait3A_721 = arith.constant 0 : i32
      %dma_wait3A_722 = arith.constant 0 : i32
      %dma_wait3A_723 = tpu.memref_slice %arg6[%dma_wait3A_713, %dma_wait3A_721, %dma_wait3A_722] : memref<3x512x64xf32, #tpu.memory_space<vmem>> -> memref<1x512x64xf32, #tpu.memory_space<vmem>>
      %dma_wait3A_724 = tpu.memref_squeeze %dma_wait3A_723 : memref<1x512x64xf32, #tpu.memory_space<vmem>> -> memref<512x64xf32, #tpu.memory_space<vmem>>
      %dma_wait3A_725 = arith.constant 0 : i32
      %dma_wait3A_726 = arith.constant 0 : i32
      %dma_wait3A_727 = tpu.memref_slice %arg4[%dma_wait3A_725, %dma_wait3A_726] : memref<819200x64xf32, #tpu.memory_space<hbm>> -> memref<512x64xf32, #tpu.memory_space<hbm>>
      tpu.wait_dma2 semaphore(%arg7 : memref<!tpu.dma_semaphore, #tpu.memory_space<semaphore_mem>>) src(%dma_wait3A_727 : memref<512x64xf32, #tpu.memory_space<hbm>>) dst(%dma_wait3A_724 : memref<512x64xf32, #tpu.memory_space<vmem>>)
      %mul3A_728 = arith.constant 4 : i32
      %mul3A_729 = arith.muli %add3A_712, %mul3A_728 : i32
      %add3A_730 = arith.addi %mul3A_2, %mul3A_729 : i32
      %mul3A_731 = arith.constant 128 : i32
      %mul3A_732 = arith.muli %add3A_730, %mul3A_731 : i32
      %dma_start3A_733 = arith.constant 0 : i32
      %dma_start3A_734 = arith.constant 0 : i32
      %dma_start3A_735 = arith.constant 0 : i32
      %dma_start3A_736 = tpu.memref_slice %arg6[%dma_start3A_733, %dma_start3A_734, %dma_start3A_735] : memref<3x512x64xf32, #tpu.memory_space<vmem>> -> memref<1x512x64xf32, #tpu.memory_space<vmem>>
      %dma_start3A_737 = tpu.memref_squeeze %dma_start3A_736 : memref<1x512x64xf32, #tpu.memory_space<vmem>> -> memref<512x64xf32, #tpu.memory_space<vmem>>
      %dma_start3A_738 = arith.constant 0 : i32
      %dma_start3A_739 = tpu.memref_slice %arg4[%mul3A_732, %dma_start3A_738] : memref<819200x64xf32, #tpu.memory_space<hbm>> -> memref<512x64xf32, #tpu.memory_space<hbm>>
      %dma_start3A_740 = arith.constant 0 : i32
      %dma_start3A_741 = tpu.memref_slice %arg4[%mul3A_732, %dma_start3A_740] : memref<819200x64xf32, #tpu.memory_space<hbm>> -> memref<512x64xf32, #tpu.memory_space<hbm>>
      %dma_start3A_742 = arith.constant 0 : i32
      %dma_start3A_743 = arith.constant 0 : i32
      %dma_start3A_744 = tpu.memref_slice %arg6[%dma_start3A_733, %dma_start3A_742, %dma_start3A_743] : memref<3x512x64xf32, #tpu.memory_space<vmem>> -> memref<1x512x64xf32, #tpu.memory_space<vmem>>
      %dma_start3A_745 = tpu.memref_squeeze %dma_start3A_744 : memref<1x512x64xf32, #tpu.memory_space<vmem>> -> memref<512x64xf32, #tpu.memory_space<vmem>>
      tpu.enqueue_dma source(%dma_start3A_745 : memref<512x64xf32, #tpu.memory_space<vmem>>) target(%dma_start3A_741 : memref<512x64xf32, #tpu.memory_space<hbm>>) target_semaphore(%arg10 : memref<!tpu.dma_semaphore, #tpu.memory_space<semaphore_mem>>)
      %dma_wait3A_746 = arith.constant 2 : i32
      %dma_wait3A_747 = arith.constant 0 : i32
      %dma_wait3A_748 = arith.constant 0 : i32
      %dma_wait3A_749 = tpu.memref_slice %arg6[%dma_wait3A_746, %dma_wait3A_747, %dma_wait3A_748] : memref<3x512x64xf32, #tpu.memory_space<vmem>> -> memref<1x512x64xf32, #tpu.memory_space<vmem>>
      %dma_wait3A_750 = tpu.memref_squeeze %dma_wait3A_749 : memref<1x512x64xf32, #tpu.memory_space<vmem>> -> memref<512x64xf32, #tpu.memory_space<vmem>>
      %dma_wait3A_751 = arith.constant 0 : i32
      %dma_wait3A_752 = arith.constant 0 : i32
      %dma_wait3A_753 = tpu.memref_slice %arg4[%dma_wait3A_751, %dma_wait3A_752] : memref<819200x64xf32, #tpu.memory_space<hbm>> -> memref<512x64xf32, #tpu.memory_space<hbm>>
      %dma_wait3A_754 = arith.constant 0 : i32
      %dma_wait3A_755 = arith.constant 0 : i32
      %dma_wait3A_756 = tpu.memref_slice %arg4[%dma_wait3A_754, %dma_wait3A_755] : memref<819200x64xf32, #tpu.memory_space<hbm>> -> memref<512x64xf32, #tpu.memory_space<hbm>>
      %dma_wait3A_757 = arith.constant 0 : i32
      %dma_wait3A_758 = arith.constant 0 : i32
      %dma_wait3A_759 = tpu.memref_slice %arg6[%dma_wait3A_746, %dma_wait3A_757, %dma_wait3A_758] : memref<3x512x64xf32, #tpu.memory_space<vmem>> -> memref<1x512x64xf32, #tpu.memory_space<vmem>>
      %dma_wait3A_760 = tpu.memref_squeeze %dma_wait3A_759 : memref<1x512x64xf32, #tpu.memory_space<vmem>> -> memref<512x64xf32, #tpu.memory_space<vmem>>
      tpu.wait_dma2 semaphore(%arg12 : memref<!tpu.dma_semaphore, #tpu.memory_space<semaphore_mem>>) src(%dma_wait3A_760 : memref<512x64xf32, #tpu.memory_space<vmem>>) dst(%dma_wait3A_756 : memref<512x64xf32, #tpu.memory_space<hbm>>)
      %add3A_761 = arith.constant 3 : i32
      %add3A_762 = arith.addi %add3A_712, %add3A_761 : i32
      %sub3A_763 = arith.constant 1 : i32
      %sub3A_764 = arith.subi %add3A_762, %sub3A_763 : i32
      %mul3A_765 = arith.constant 4 : i32
      %mul3A_766 = arith.muli %sub3A_764, %mul3A_765 : i32
      %add3A_767 = arith.constant 0 : i32
      %add3A_768 = arith.addi %mul3A_766, %add3A_767 : i32
      %dma_start3A_769 = arith.constant 2 : i32
      %dma_start3A_770 = arith.constant 0 : i32
      %dma_start3A_771 = arith.constant 0 : i32
      %dma_start3A_772 = tpu.memref_slice %arg6[%dma_start3A_769, %dma_start3A_770, %dma_start3A_771] : memref<3x512x64xf32, #tpu.memory_space<vmem>> -> memref<1x128x64xf32, #tpu.memory_space<vmem>>
      %dma_start3A_773 = tpu.memref_squeeze %dma_start3A_772 : memref<1x128x64xf32, #tpu.memory_space<vmem>> -> memref<128x64xf32, #tpu.memory_space<vmem>>
      %dma_start3A_774 = arith.constant 0 : i32
      %dma_start3A_775 = tpu.memref_slice %arg5[%add3A_768, %dma_start3A_774] : memref<200x128xi32, #tpu.memory_space<vmem>> -> memref<1x128xi32, #tpu.memory_space<vmem>>
      %dma_start3A_776 = tpu.memref_squeeze %dma_start3A_775 : memref<1x128xi32, #tpu.memory_space<vmem>> -> memref<128xi32, #tpu.memory_space<vmem>>
      %dma_start3A_777 = arith.constant 0 : i32
      %dma_start3A_778 = arith.constant 0 : i32
      %dma_start3A_779 = tpu.memref_slice %arg3[%dma_start3A_777, %dma_start3A_778] : memref<100000x64xf32, #tpu.memory_space<hbm>> -> memref<100000x64xf32, #tpu.memory_space<hbm>>
      tpu.enqueue_indirect_dma source(%dma_start3A_779 : memref<100000x64xf32, #tpu.memory_space<hbm>>) target(%dma_start3A_773 : memref<128x64xf32, #tpu.memory_space<vmem>>) offsets(%dma_start3A_776 : memref<128xi32, #tpu.memory_space<vmem>>) semaphore(%arg9 : memref<!tpu.dma_semaphore, #tpu.memory_space<semaphore_mem>>)
      %mul3A_780 = arith.constant 4 : i32
      %mul3A_781 = arith.muli %sub3A_764, %mul3A_780 : i32
      %add3A_782 = arith.constant 1 : i32
      %add3A_783 = arith.addi %mul3A_781, %add3A_782 : i32
      %dma_start3A_784 = arith.constant 2 : i32
      %dma_start3A_785 = arith.constant 128 : i32
      %dma_start3A_786 = arith.constant 0 : i32
      %dma_start3A_787 = tpu.memref_slice %arg6[%dma_start3A_784, %dma_start3A_785, %dma_start3A_786] : memref<3x512x64xf32, #tpu.memory_space<vmem>> -> memref<1x128x64xf32, #tpu.memory_space<vmem>>
      %dma_start3A_788 = tpu.memref_squeeze %dma_start3A_787 : memref<1x128x64xf32, #tpu.memory_space<vmem>> -> memref<128x64xf32, #tpu.memory_space<vmem>>
      %dma_start3A_789 = arith.constant 0 : i32
      %dma_start3A_790 = tpu.memref_slice %arg5[%add3A_783, %dma_start3A_789] : memref<200x128xi32, #tpu.memory_space<vmem>> -> memref<1x128xi32, #tpu.memory_space<vmem>>
      %dma_start3A_791 = tpu.memref_squeeze %dma_start3A_790 : memref<1x128xi32, #tpu.memory_space<vmem>> -> memref<128xi32, #tpu.memory_space<vmem>>
      %dma_start3A_792 = arith.constant 0 : i32
      %dma_start3A_793 = arith.constant 0 : i32
      %dma_start3A_794 = tpu.memref_slice %arg3[%dma_start3A_792, %dma_start3A_793] : memref<100000x64xf32, #tpu.memory_space<hbm>> -> memref<100000x64xf32, #tpu.memory_space<hbm>>
      tpu.enqueue_indirect_dma source(%dma_start3A_794 : memref<100000x64xf32, #tpu.memory_space<hbm>>) target(%dma_start3A_788 : memref<128x64xf32, #tpu.memory_space<vmem>>) offsets(%dma_start3A_791 : memref<128xi32, #tpu.memory_space<vmem>>) semaphore(%arg9 : memref<!tpu.dma_semaphore, #tpu.memory_space<semaphore_mem>>)
      %mul3A_795 = arith.constant 4 : i32
      %mul3A_796 = arith.muli %sub3A_764, %mul3A_795 : i32
      %add3A_797 = arith.constant 2 : i32
      %add3A_798 = arith.addi %mul3A_796, %add3A_797 : i32
      %dma_start3A_799 = arith.constant 2 : i32
      %dma_start3A_800 = arith.constant 256 : i32
      %dma_start3A_801 = arith.constant 0 : i32
      %dma_start3A_802 = tpu.memref_slice %arg6[%dma_start3A_799, %dma_start3A_800, %dma_start3A_801] : memref<3x512x64xf32, #tpu.memory_space<vmem>> -> memref<1x128x64xf32, #tpu.memory_space<vmem>>
      %dma_start3A_803 = tpu.memref_squeeze %dma_start3A_802 : memref<1x128x64xf32, #tpu.memory_space<vmem>> -> memref<128x64xf32, #tpu.memory_space<vmem>>
      %dma_start3A_804 = arith.constant 0 : i32
      %dma_start3A_805 = tpu.memref_slice %arg5[%add3A_798, %dma_start3A_804] : memref<200x128xi32, #tpu.memory_space<vmem>> -> memref<1x128xi32, #tpu.memory_space<vmem>>
      %dma_start3A_806 = tpu.memref_squeeze %dma_start3A_805 : memref<1x128xi32, #tpu.memory_space<vmem>> -> memref<128xi32, #tpu.memory_space<vmem>>
      %dma_start3A_807 = arith.constant 0 : i32
      %dma_start3A_808 = arith.constant 0 : i32
      %dma_start3A_809 = tpu.memref_slice %arg3[%dma_start3A_807, %dma_start3A_808] : memref<100000x64xf32, #tpu.memory_space<hbm>> -> memref<100000x64xf32, #tpu.memory_space<hbm>>
      tpu.enqueue_indirect_dma source(%dma_start3A_809 : memref<100000x64xf32, #tpu.memory_space<hbm>>) target(%dma_start3A_803 : memref<128x64xf32, #tpu.memory_space<vmem>>) offsets(%dma_start3A_806 : memref<128xi32, #tpu.memory_space<vmem>>) semaphore(%arg9 : memref<!tpu.dma_semaphore, #tpu.memory_space<semaphore_mem>>)
      %mul3A_810 = arith.constant 4 : i32
      %mul3A_811 = arith.muli %sub3A_764, %mul3A_810 : i32
      %add3A_812 = arith.constant 3 : i32
      %add3A_813 = arith.addi %mul3A_811, %add3A_812 : i32
      %dma_start3A_814 = arith.constant 2 : i32
      %dma_start3A_815 = arith.constant 384 : i32
      %dma_start3A_816 = arith.constant 0 : i32
      %dma_start3A_817 = tpu.memref_slice %arg6[%dma_start3A_814, %dma_start3A_815, %dma_start3A_816] : memref<3x512x64xf32, #tpu.memory_space<vmem>> -> memref<1x128x64xf32, #tpu.memory_space<vmem>>
      %dma_start3A_818 = tpu.memref_squeeze %dma_start3A_817 : memref<1x128x64xf32, #tpu.memory_space<vmem>> -> memref<128x64xf32, #tpu.memory_space<vmem>>
      %dma_start3A_819 = arith.constant 0 : i32
      %dma_start3A_820 = tpu.memref_slice %arg5[%add3A_813, %dma_start3A_819] : memref<200x128xi32, #tpu.memory_space<vmem>> -> memref<1x128xi32, #tpu.memory_space<vmem>>
      %dma_start3A_821 = tpu.memref_squeeze %dma_start3A_820 : memref<1x128xi32, #tpu.memory_space<vmem>> -> memref<128xi32, #tpu.memory_space<vmem>>
      %dma_start3A_822 = arith.constant 0 : i32
      %dma_start3A_823 = arith.constant 0 : i32
      %dma_start3A_824 = tpu.memref_slice %arg3[%dma_start3A_822, %dma_start3A_823] : memref<100000x64xf32, #tpu.memory_space<hbm>> -> memref<100000x64xf32, #tpu.memory_space<hbm>>
      tpu.enqueue_indirect_dma source(%dma_start3A_824 : memref<100000x64xf32, #tpu.memory_space<hbm>>) target(%dma_start3A_818 : memref<128x64xf32, #tpu.memory_space<vmem>>) offsets(%dma_start3A_821 : memref<128xi32, #tpu.memory_space<vmem>>) semaphore(%arg9 : memref<!tpu.dma_semaphore, #tpu.memory_space<semaphore_mem>>)
    }
    %scan3A_181 = arith.constant 15 : i32
    %dma_wait3A_182 = arith.constant 1 : i32
    %dma_wait3A_183 = arith.constant 0 : i32
    %dma_wait3A_184 = arith.constant 0 : i32
    %dma_wait3A_185 = tpu.memref_slice %arg6[%dma_wait3A_182, %dma_wait3A_183, %dma_wait3A_184] : memref<3x512x64xf32, #tpu.memory_space<vmem>> -> memref<1x512x64xf32, #tpu.memory_space<vmem>>
    %dma_wait3A_186 = tpu.memref_squeeze %dma_wait3A_185 : memref<1x512x64xf32, #tpu.memory_space<vmem>> -> memref<512x64xf32, #tpu.memory_space<vmem>>
    %dma_wait3A_187 = arith.constant 0 : i32
    %dma_wait3A_188 = arith.constant 0 : i32
    %dma_wait3A_189 = tpu.memref_slice %arg4[%dma_wait3A_187, %dma_wait3A_188] : memref<819200x64xf32, #tpu.memory_space<hbm>> -> memref<512x64xf32, #tpu.memory_space<hbm>>
    %dma_wait3A_190 = arith.constant 0 : i32
    %dma_wait3A_191 = arith.constant 0 : i32
    %dma_wait3A_192 = tpu.memref_slice %arg6[%dma_wait3A_182, %dma_wait3A_190, %dma_wait3A_191] : memref<3x512x64xf32, #tpu.memory_space<vmem>> -> memref<1x512x64xf32, #tpu.memory_space<vmem>>
    %dma_wait3A_193 = tpu.memref_squeeze %dma_wait3A_192 : memref<1x512x64xf32, #tpu.memory_space<vmem>> -> memref<512x64xf32, #tpu.memory_space<vmem>>
    %dma_wait3A_194 = arith.constant 0 : i32
    %dma_wait3A_195 = arith.constant 0 : i32
    %dma_wait3A_196 = tpu.memref_slice %arg4[%dma_wait3A_194, %dma_wait3A_195] : memref<819200x64xf32, #tpu.memory_space<hbm>> -> memref<512x64xf32, #tpu.memory_space<hbm>>
    tpu.wait_dma2 semaphore(%arg8 : memref<!tpu.dma_semaphore, #tpu.memory_space<semaphore_mem>>) src(%dma_wait3A_196 : memref<512x64xf32, #tpu.memory_space<hbm>>) dst(%dma_wait3A_193 : memref<512x64xf32, #tpu.memory_space<vmem>>)
    %add3A_197 = arith.constant 184 : i32
    %add3A_198 = arith.addi %mul3A_2, %add3A_197 : i32
    %mul3A_199 = arith.constant 128 : i32
    %mul3A_200 = arith.muli %add3A_198, %mul3A_199 : i32
    %dma_start3A_201 = arith.constant 1 : i32
    %dma_start3A_202 = arith.constant 0 : i32
    %dma_start3A_203 = arith.constant 0 : i32
    %dma_start3A_204 = tpu.memref_slice %arg6[%dma_start3A_201, %dma_start3A_202, %dma_start3A_203] : memref<3x512x64xf32, #tpu.memory_space<vmem>> -> memref<1x512x64xf32, #tpu.memory_space<vmem>>
    %dma_start3A_205 = tpu.memref_squeeze %dma_start3A_204 : memref<1x512x64xf32, #tpu.memory_space<vmem>> -> memref<512x64xf32, #tpu.memory_space<vmem>>
    %dma_start3A_206 = arith.constant 0 : i32
    %dma_start3A_207 = tpu.memref_slice %arg4[%mul3A_200, %dma_start3A_206] : memref<819200x64xf32, #tpu.memory_space<hbm>> -> memref<512x64xf32, #tpu.memory_space<hbm>>
    %dma_start3A_208 = arith.constant 0 : i32
    %dma_start3A_209 = tpu.memref_slice %arg4[%mul3A_200, %dma_start3A_208] : memref<819200x64xf32, #tpu.memory_space<hbm>> -> memref<512x64xf32, #tpu.memory_space<hbm>>
    %dma_start3A_210 = arith.constant 0 : i32
    %dma_start3A_211 = arith.constant 0 : i32
    %dma_start3A_212 = tpu.memref_slice %arg6[%dma_start3A_201, %dma_start3A_210, %dma_start3A_211] : memref<3x512x64xf32, #tpu.memory_space<vmem>> -> memref<1x512x64xf32, #tpu.memory_space<vmem>>
    %dma_start3A_213 = tpu.memref_squeeze %dma_start3A_212 : memref<1x512x64xf32, #tpu.memory_space<vmem>> -> memref<512x64xf32, #tpu.memory_space<vmem>>
    tpu.enqueue_dma source(%dma_start3A_213 : memref<512x64xf32, #tpu.memory_space<vmem>>) target(%dma_start3A_209 : memref<512x64xf32, #tpu.memory_space<hbm>>) target_semaphore(%arg11 : memref<!tpu.dma_semaphore, #tpu.memory_space<semaphore_mem>>)
    %dma_wait3A_214 = arith.constant 0 : i32
    %dma_wait3A_215 = arith.constant 0 : i32
    %dma_wait3A_216 = arith.constant 0 : i32
    %dma_wait3A_217 = tpu.memref_slice %arg6[%dma_wait3A_214, %dma_wait3A_215, %dma_wait3A_216] : memref<3x512x64xf32, #tpu.memory_space<vmem>> -> memref<1x512x64xf32, #tpu.memory_space<vmem>>
    %dma_wait3A_218 = tpu.memref_squeeze %dma_wait3A_217 : memref<1x512x64xf32, #tpu.memory_space<vmem>> -> memref<512x64xf32, #tpu.memory_space<vmem>>
    %dma_wait3A_219 = arith.constant 0 : i32
    %dma_wait3A_220 = arith.constant 0 : i32
    %dma_wait3A_221 = tpu.memref_slice %arg4[%dma_wait3A_219, %dma_wait3A_220] : memref<819200x64xf32, #tpu.memory_space<hbm>> -> memref<512x64xf32, #tpu.memory_space<hbm>>
    %dma_wait3A_222 = arith.constant 0 : i32
    %dma_wait3A_223 = arith.constant 0 : i32
    %dma_wait3A_224 = tpu.memref_slice %arg4[%dma_wait3A_222, %dma_wait3A_223] : memref<819200x64xf32, #tpu.memory_space<hbm>> -> memref<512x64xf32, #tpu.memory_space<hbm>>
    %dma_wait3A_225 = arith.constant 0 : i32
    %dma_wait3A_226 = arith.constant 0 : i32
    %dma_wait3A_227 = tpu.memref_slice %arg6[%dma_wait3A_214, %dma_wait3A_225, %dma_wait3A_226] : memref<3x512x64xf32, #tpu.memory_space<vmem>> -> memref<1x512x64xf32, #tpu.memory_space<vmem>>
    %dma_wait3A_228 = tpu.memref_squeeze %dma_wait3A_227 : memref<1x512x64xf32, #tpu.memory_space<vmem>> -> memref<512x64xf32, #tpu.memory_space<vmem>>
    tpu.wait_dma2 semaphore(%arg10 : memref<!tpu.dma_semaphore, #tpu.memory_space<semaphore_mem>>) src(%dma_wait3A_228 : memref<512x64xf32, #tpu.memory_space<vmem>>) dst(%dma_wait3A_224 : memref<512x64xf32, #tpu.memory_space<hbm>>)
    %dma_start3A_229 = arith.constant 192 : i32
    %dma_start3A_230 = arith.constant 0 : i32
    %dma_start3A_231 = arith.constant 0 : i32
    %dma_start3A_232 = arith.constant 0 : i32
    %dma_start3A_233 = tpu.memref_slice %arg6[%dma_start3A_230, %dma_start3A_231, %dma_start3A_232] : memref<3x512x64xf32, #tpu.memory_space<vmem>> -> memref<1x128x64xf32, #tpu.memory_space<vmem>>
    %dma_start3A_234 = tpu.memref_squeeze %dma_start3A_233 : memref<1x128x64xf32, #tpu.memory_space<vmem>> -> memref<128x64xf32, #tpu.memory_space<vmem>>
    %dma_start3A_235 = arith.constant 0 : i32
    %dma_start3A_236 = tpu.memref_slice %arg5[%dma_start3A_229, %dma_start3A_235] : memref<200x128xi32, #tpu.memory_space<vmem>> -> memref<1x128xi32, #tpu.memory_space<vmem>>
    %dma_start3A_237 = tpu.memref_squeeze %dma_start3A_236 : memref<1x128xi32, #tpu.memory_space<vmem>> -> memref<128xi32, #tpu.memory_space<vmem>>
    %dma_start3A_238 = arith.constant 0 : i32
    %dma_start3A_239 = arith.constant 0 : i32
    %dma_start3A_240 = tpu.memref_slice %arg3[%dma_start3A_238, %dma_start3A_239] : memref<100000x64xf32, #tpu.memory_space<hbm>> -> memref<100000x64xf32, #tpu.memory_space<hbm>>
    tpu.enqueue_indirect_dma source(%dma_start3A_240 : memref<100000x64xf32, #tpu.memory_space<hbm>>) target(%dma_start3A_234 : memref<128x64xf32, #tpu.memory_space<vmem>>) offsets(%dma_start3A_237 : memref<128xi32, #tpu.memory_space<vmem>>) semaphore(%arg7 : memref<!tpu.dma_semaphore, #tpu.memory_space<semaphore_mem>>)
    %dma_start3A_241 = arith.constant 193 : i32
    %dma_start3A_242 = arith.constant 0 : i32
    %dma_start3A_243 = arith.constant 128 : i32
    %dma_start3A_244 = arith.constant 0 : i32
    %dma_start3A_245 = tpu.memref_slice %arg6[%dma_start3A_242, %dma_start3A_243, %dma_start3A_244] : memref<3x512x64xf32, #tpu.memory_space<vmem>> -> memref<1x128x64xf32, #tpu.memory_space<vmem>>
    %dma_start3A_246 = tpu.memref_squeeze %dma_start3A_245 : memref<1x128x64xf32, #tpu.memory_space<vmem>> -> memref<128x64xf32, #tpu.memory_space<vmem>>
    %dma_start3A_247 = arith.constant 0 : i32
    %dma_start3A_248 = tpu.memref_slice %arg5[%dma_start3A_241, %dma_start3A_247] : memref<200x128xi32, #tpu.memory_space<vmem>> -> memref<1x128xi32, #tpu.memory_space<vmem>>
    %dma_start3A_249 = tpu.memref_squeeze %dma_start3A_248 : memref<1x128xi32, #tpu.memory_space<vmem>> -> memref<128xi32, #tpu.memory_space<vmem>>
    %dma_start3A_250 = arith.constant 0 : i32
    %dma_start3A_251 = arith.constant 0 : i32
    %dma_start3A_252 = tpu.memref_slice %arg3[%dma_start3A_250, %dma_start3A_251] : memref<100000x64xf32, #tpu.memory_space<hbm>> -> memref<100000x64xf32, #tpu.memory_space<hbm>>
    tpu.enqueue_indirect_dma source(%dma_start3A_252 : memref<100000x64xf32, #tpu.memory_space<hbm>>) target(%dma_start3A_246 : memref<128x64xf32, #tpu.memory_space<vmem>>) offsets(%dma_start3A_249 : memref<128xi32, #tpu.memory_space<vmem>>) semaphore(%arg7 : memref<!tpu.dma_semaphore, #tpu.memory_space<semaphore_mem>>)
    %dma_start3A_253 = arith.constant 194 : i32
    %dma_start3A_254 = arith.constant 0 : i32
    %dma_start3A_255 = arith.constant 256 : i32
    %dma_start3A_256 = arith.constant 0 : i32
    %dma_start3A_257 = tpu.memref_slice %arg6[%dma_start3A_254, %dma_start3A_255, %dma_start3A_256] : memref<3x512x64xf32, #tpu.memory_space<vmem>> -> memref<1x128x64xf32, #tpu.memory_space<vmem>>
    %dma_start3A_258 = tpu.memref_squeeze %dma_start3A_257 : memref<1x128x64xf32, #tpu.memory_space<vmem>> -> memref<128x64xf32, #tpu.memory_space<vmem>>
    %dma_start3A_259 = arith.constant 0 : i32
    %dma_start3A_260 = tpu.memref_slice %arg5[%dma_start3A_253, %dma_start3A_259] : memref<200x128xi32, #tpu.memory_space<vmem>> -> memref<1x128xi32, #tpu.memory_space<vmem>>
    %dma_start3A_261 = tpu.memref_squeeze %dma_start3A_260 : memref<1x128xi32, #tpu.memory_space<vmem>> -> memref<128xi32, #tpu.memory_space<vmem>>
    %dma_start3A_262 = arith.constant 0 : i32
    %dma_start3A_263 = arith.constant 0 : i32
    %dma_start3A_264 = tpu.memref_slice %arg3[%dma_start3A_262, %dma_start3A_263] : memref<100000x64xf32, #tpu.memory_space<hbm>> -> memref<100000x64xf32, #tpu.memory_space<hbm>>
    tpu.enqueue_indirect_dma source(%dma_start3A_264 : memref<100000x64xf32, #tpu.memory_space<hbm>>) target(%dma_start3A_258 : memref<128x64xf32, #tpu.memory_space<vmem>>) offsets(%dma_start3A_261 : memref<128xi32, #tpu.memory_space<vmem>>) semaphore(%arg7 : memref<!tpu.dma_semaphore, #tpu.memory_space<semaphore_mem>>)
    %dma_start3A_265 = arith.constant 195 : i32
    %dma_start3A_266 = arith.constant 0 : i32
    %dma_start3A_267 = arith.constant 384 : i32
    %dma_start3A_268 = arith.constant 0 : i32
    %dma_start3A_269 = tpu.memref_slice %arg6[%dma_start3A_266, %dma_start3A_267, %dma_start3A_268] : memref<3x512x64xf32, #tpu.memory_space<vmem>> -> memref<1x128x64xf32, #tpu.memory_space<vmem>>
    %dma_start3A_270 = tpu.memref_squeeze %dma_start3A_269 : memref<1x128x64xf32, #tpu.memory_space<vmem>> -> memref<128x64xf32, #tpu.memory_space<vmem>>
    %dma_start3A_271 = arith.constant 0 : i32
    %dma_start3A_272 = tpu.memref_slice %arg5[%dma_start3A_265, %dma_start3A_271] : memref<200x128xi32, #tpu.memory_space<vmem>> -> memref<1x128xi32, #tpu.memory_space<vmem>>
    %dma_start3A_273 = tpu.memref_squeeze %dma_start3A_272 : memref<1x128xi32, #tpu.memory_space<vmem>> -> memref<128xi32, #tpu.memory_space<vmem>>
    %dma_start3A_274 = arith.constant 0 : i32
    %dma_start3A_275 = arith.constant 0 : i32
    %dma_start3A_276 = tpu.memref_slice %arg3[%dma_start3A_274, %dma_start3A_275] : memref<100000x64xf32, #tpu.memory_space<hbm>> -> memref<100000x64xf32, #tpu.memory_space<hbm>>
    tpu.enqueue_indirect_dma source(%dma_start3A_276 : memref<100000x64xf32, #tpu.memory_space<hbm>>) target(%dma_start3A_270 : memref<128x64xf32, #tpu.memory_space<vmem>>) offsets(%dma_start3A_273 : memref<128xi32, #tpu.memory_space<vmem>>) semaphore(%arg7 : memref<!tpu.dma_semaphore, #tpu.memory_space<semaphore_mem>>)
    %dma_wait3A_277 = arith.constant 2 : i32
    %dma_wait3A_278 = arith.constant 0 : i32
    %dma_wait3A_279 = arith.constant 0 : i32
    %dma_wait3A_280 = tpu.memref_slice %arg6[%dma_wait3A_277, %dma_wait3A_278, %dma_wait3A_279] : memref<3x512x64xf32, #tpu.memory_space<vmem>> -> memref<1x512x64xf32, #tpu.memory_space<vmem>>
    %dma_wait3A_281 = tpu.memref_squeeze %dma_wait3A_280 : memref<1x512x64xf32, #tpu.memory_space<vmem>> -> memref<512x64xf32, #tpu.memory_space<vmem>>
    %dma_wait3A_282 = arith.constant 0 : i32
    %dma_wait3A_283 = arith.constant 0 : i32
    %dma_wait3A_284 = tpu.memref_slice %arg4[%dma_wait3A_282, %dma_wait3A_283] : memref<819200x64xf32, #tpu.memory_space<hbm>> -> memref<512x64xf32, #tpu.memory_space<hbm>>
    %dma_wait3A_285 = arith.constant 0 : i32
    %dma_wait3A_286 = arith.constant 0 : i32
    %dma_wait3A_287 = tpu.memref_slice %arg6[%dma_wait3A_277, %dma_wait3A_285, %dma_wait3A_286] : memref<3x512x64xf32, #tpu.memory_space<vmem>> -> memref<1x512x64xf32, #tpu.memory_space<vmem>>
    %dma_wait3A_288 = tpu.memref_squeeze %dma_wait3A_287 : memref<1x512x64xf32, #tpu.memory_space<vmem>> -> memref<512x64xf32, #tpu.memory_space<vmem>>
    %dma_wait3A_289 = arith.constant 0 : i32
    %dma_wait3A_290 = arith.constant 0 : i32
    %dma_wait3A_291 = tpu.memref_slice %arg4[%dma_wait3A_289, %dma_wait3A_290] : memref<819200x64xf32, #tpu.memory_space<hbm>> -> memref<512x64xf32, #tpu.memory_space<hbm>>
    tpu.wait_dma2 semaphore(%arg9 : memref<!tpu.dma_semaphore, #tpu.memory_space<semaphore_mem>>) src(%dma_wait3A_291 : memref<512x64xf32, #tpu.memory_space<hbm>>) dst(%dma_wait3A_288 : memref<512x64xf32, #tpu.memory_space<vmem>>)
    %add3A_292 = arith.constant 188 : i32
    %add3A_293 = arith.addi %mul3A_2, %add3A_292 : i32
    %mul3A_294 = arith.constant 128 : i32
    %mul3A_295 = arith.muli %add3A_293, %mul3A_294 : i32
    %dma_start3A_296 = arith.constant 2 : i32
    %dma_start3A_297 = arith.constant 0 : i32
    %dma_start3A_298 = arith.constant 0 : i32
    %dma_start3A_299 = tpu.memref_slice %arg6[%dma_start3A_296, %dma_start3A_297, %dma_start3A_298] : memref<3x512x64xf32, #tpu.memory_space<vmem>> -> memref<1x512x64xf32, #tpu.memory_space<vmem>>
    %dma_start3A_300 = tpu.memref_squeeze %dma_start3A_299 : memref<1x512x64xf32, #tpu.memory_space<vmem>> -> memref<512x64xf32, #tpu.memory_space<vmem>>
    %dma_start3A_301 = arith.constant 0 : i32
    %dma_start3A_302 = tpu.memref_slice %arg4[%mul3A_295, %dma_start3A_301] : memref<819200x64xf32, #tpu.memory_space<hbm>> -> memref<512x64xf32, #tpu.memory_space<hbm>>
    %dma_start3A_303 = arith.constant 0 : i32
    %dma_start3A_304 = tpu.memref_slice %arg4[%mul3A_295, %dma_start3A_303] : memref<819200x64xf32, #tpu.memory_space<hbm>> -> memref<512x64xf32, #tpu.memory_space<hbm>>
    %dma_start3A_305 = arith.constant 0 : i32
    %dma_start3A_306 = arith.constant 0 : i32
    %dma_start3A_307 = tpu.memref_slice %arg6[%dma_start3A_296, %dma_start3A_305, %dma_start3A_306] : memref<3x512x64xf32, #tpu.memory_space<vmem>> -> memref<1x512x64xf32, #tpu.memory_space<vmem>>
    %dma_start3A_308 = tpu.memref_squeeze %dma_start3A_307 : memref<1x512x64xf32, #tpu.memory_space<vmem>> -> memref<512x64xf32, #tpu.memory_space<vmem>>
    tpu.enqueue_dma source(%dma_start3A_308 : memref<512x64xf32, #tpu.memory_space<vmem>>) target(%dma_start3A_304 : memref<512x64xf32, #tpu.memory_space<hbm>>) target_semaphore(%arg12 : memref<!tpu.dma_semaphore, #tpu.memory_space<semaphore_mem>>)
    %dma_wait3A_309 = arith.constant 1 : i32
    %dma_wait3A_310 = arith.constant 0 : i32
    %dma_wait3A_311 = arith.constant 0 : i32
    %dma_wait3A_312 = tpu.memref_slice %arg6[%dma_wait3A_309, %dma_wait3A_310, %dma_wait3A_311] : memref<3x512x64xf32, #tpu.memory_space<vmem>> -> memref<1x512x64xf32, #tpu.memory_space<vmem>>
    %dma_wait3A_313 = tpu.memref_squeeze %dma_wait3A_312 : memref<1x512x64xf32, #tpu.memory_space<vmem>> -> memref<512x64xf32, #tpu.memory_space<vmem>>
    %dma_wait3A_314 = arith.constant 0 : i32
    %dma_wait3A_315 = arith.constant 0 : i32
    %dma_wait3A_316 = tpu.memref_slice %arg4[%dma_wait3A_314, %dma_wait3A_315] : memref<819200x64xf32, #tpu.memory_space<hbm>> -> memref<512x64xf32, #tpu.memory_space<hbm>>
    %dma_wait3A_317 = arith.constant 0 : i32
    %dma_wait3A_318 = arith.constant 0 : i32
    %dma_wait3A_319 = tpu.memref_slice %arg4[%dma_wait3A_317, %dma_wait3A_318] : memref<819200x64xf32, #tpu.memory_space<hbm>> -> memref<512x64xf32, #tpu.memory_space<hbm>>
    %dma_wait3A_320 = arith.constant 0 : i32
    %dma_wait3A_321 = arith.constant 0 : i32
    %dma_wait3A_322 = tpu.memref_slice %arg6[%dma_wait3A_309, %dma_wait3A_320, %dma_wait3A_321] : memref<3x512x64xf32, #tpu.memory_space<vmem>> -> memref<1x512x64xf32, #tpu.memory_space<vmem>>
    %dma_wait3A_323 = tpu.memref_squeeze %dma_wait3A_322 : memref<1x512x64xf32, #tpu.memory_space<vmem>> -> memref<512x64xf32, #tpu.memory_space<vmem>>
    tpu.wait_dma2 semaphore(%arg11 : memref<!tpu.dma_semaphore, #tpu.memory_space<semaphore_mem>>) src(%dma_wait3A_323 : memref<512x64xf32, #tpu.memory_space<vmem>>) dst(%dma_wait3A_319 : memref<512x64xf32, #tpu.memory_space<hbm>>)
    %dma_start3A_324 = arith.constant 196 : i32
    %dma_start3A_325 = arith.constant 1 : i32
    %dma_start3A_326 = arith.constant 0 : i32
    %dma_start3A_327 = arith.constant 0 : i32
    %dma_start3A_328 = tpu.memref_slice %arg6[%dma_start3A_325, %dma_start3A_326, %dma_start3A_327] : memref<3x512x64xf32, #tpu.memory_space<vmem>> -> memref<1x128x64xf32, #tpu.memory_space<vmem>>
    %dma_start3A_329 = tpu.memref_squeeze %dma_start3A_328 : memref<1x128x64xf32, #tpu.memory_space<vmem>> -> memref<128x64xf32, #tpu.memory_space<vmem>>
    %dma_start3A_330 = arith.constant 0 : i32
    %dma_start3A_331 = tpu.memref_slice %arg5[%dma_start3A_324, %dma_start3A_330] : memref<200x128xi32, #tpu.memory_space<vmem>> -> memref<1x128xi32, #tpu.memory_space<vmem>>
    %dma_start3A_332 = tpu.memref_squeeze %dma_start3A_331 : memref<1x128xi32, #tpu.memory_space<vmem>> -> memref<128xi32, #tpu.memory_space<vmem>>
    %dma_start3A_333 = arith.constant 0 : i32
    %dma_start3A_334 = arith.constant 0 : i32
    %dma_start3A_335 = tpu.memref_slice %arg3[%dma_start3A_333, %dma_start3A_334] : memref<100000x64xf32, #tpu.memory_space<hbm>> -> memref<100000x64xf32, #tpu.memory_space<hbm>>
    tpu.enqueue_indirect_dma source(%dma_start3A_335 : memref<100000x64xf32, #tpu.memory_space<hbm>>) target(%dma_start3A_329 : memref<128x64xf32, #tpu.memory_space<vmem>>) offsets(%dma_start3A_332 : memref<128xi32, #tpu.memory_space<vmem>>) semaphore(%arg8 : memref<!tpu.dma_semaphore, #tpu.memory_space<semaphore_mem>>)
    %dma_start3A_336 = arith.constant 197 : i32
    %dma_start3A_337 = arith.constant 1 : i32
    %dma_start3A_338 = arith.constant 128 : i32
    %dma_start3A_339 = arith.constant 0 : i32
    %dma_start3A_340 = tpu.memref_slice %arg6[%dma_start3A_337, %dma_start3A_338, %dma_start3A_339] : memref<3x512x64xf32, #tpu.memory_space<vmem>> -> memref<1x128x64xf32, #tpu.memory_space<vmem>>
    %dma_start3A_341 = tpu.memref_squeeze %dma_start3A_340 : memref<1x128x64xf32, #tpu.memory_space<vmem>> -> memref<128x64xf32, #tpu.memory_space<vmem>>
    %dma_start3A_342 = arith.constant 0 : i32
    %dma_start3A_343 = tpu.memref_slice %arg5[%dma_start3A_336, %dma_start3A_342] : memref<200x128xi32, #tpu.memory_space<vmem>> -> memref<1x128xi32, #tpu.memory_space<vmem>>
    %dma_start3A_344 = tpu.memref_squeeze %dma_start3A_343 : memref<1x128xi32, #tpu.memory_space<vmem>> -> memref<128xi32, #tpu.memory_space<vmem>>
    %dma_start3A_345 = arith.constant 0 : i32
    %dma_start3A_346 = arith.constant 0 : i32
    %dma_start3A_347 = tpu.memref_slice %arg3[%dma_start3A_345, %dma_start3A_346] : memref<100000x64xf32, #tpu.memory_space<hbm>> -> memref<100000x64xf32, #tpu.memory_space<hbm>>
    tpu.enqueue_indirect_dma source(%dma_start3A_347 : memref<100000x64xf32, #tpu.memory_space<hbm>>) target(%dma_start3A_341 : memref<128x64xf32, #tpu.memory_space<vmem>>) offsets(%dma_start3A_344 : memref<128xi32, #tpu.memory_space<vmem>>) semaphore(%arg8 : memref<!tpu.dma_semaphore, #tpu.memory_space<semaphore_mem>>)
    %dma_start3A_348 = arith.constant 198 : i32
    %dma_start3A_349 = arith.constant 1 : i32
    %dma_start3A_350 = arith.constant 256 : i32
    %dma_start3A_351 = arith.constant 0 : i32
    %dma_start3A_352 = tpu.memref_slice %arg6[%dma_start3A_349, %dma_start3A_350, %dma_start3A_351] : memref<3x512x64xf32, #tpu.memory_space<vmem>> -> memref<1x128x64xf32, #tpu.memory_space<vmem>>
    %dma_start3A_353 = tpu.memref_squeeze %dma_start3A_352 : memref<1x128x64xf32, #tpu.memory_space<vmem>> -> memref<128x64xf32, #tpu.memory_space<vmem>>
    %dma_start3A_354 = arith.constant 0 : i32
    %dma_start3A_355 = tpu.memref_slice %arg5[%dma_start3A_348, %dma_start3A_354] : memref<200x128xi32, #tpu.memory_space<vmem>> -> memref<1x128xi32, #tpu.memory_space<vmem>>
    %dma_start3A_356 = tpu.memref_squeeze %dma_start3A_355 : memref<1x128xi32, #tpu.memory_space<vmem>> -> memref<128xi32, #tpu.memory_space<vmem>>
    %dma_start3A_357 = arith.constant 0 : i32
    %dma_start3A_358 = arith.constant 0 : i32
    %dma_start3A_359 = tpu.memref_slice %arg3[%dma_start3A_357, %dma_start3A_358] : memref<100000x64xf32, #tpu.memory_space<hbm>> -> memref<100000x64xf32, #tpu.memory_space<hbm>>
    tpu.enqueue_indirect_dma source(%dma_start3A_359 : memref<100000x64xf32, #tpu.memory_space<hbm>>) target(%dma_start3A_353 : memref<128x64xf32, #tpu.memory_space<vmem>>) offsets(%dma_start3A_356 : memref<128xi32, #tpu.memory_space<vmem>>) semaphore(%arg8 : memref<!tpu.dma_semaphore, #tpu.memory_space<semaphore_mem>>)
    %dma_start3A_360 = arith.constant 199 : i32
    %dma_start3A_361 = arith.constant 1 : i32
    %dma_start3A_362 = arith.constant 384 : i32
    %dma_start3A_363 = arith.constant 0 : i32
    %dma_start3A_364 = tpu.memref_slice %arg6[%dma_start3A_361, %dma_start3A_362, %dma_start3A_363] : memref<3x512x64xf32, #tpu.memory_space<vmem>> -> memref<1x128x64xf32, #tpu.memory_space<vmem>>
    %dma_start3A_365 = tpu.memref_squeeze %dma_start3A_364 : memref<1x128x64xf32, #tpu.memory_space<vmem>> -> memref<128x64xf32, #tpu.memory_space<vmem>>
    %dma_start3A_366 = arith.constant 0 : i32
    %dma_start3A_367 = tpu.memref_slice %arg5[%dma_start3A_360, %dma_start3A_366] : memref<200x128xi32, #tpu.memory_space<vmem>> -> memref<1x128xi32, #tpu.memory_space<vmem>>
    %dma_start3A_368 = tpu.memref_squeeze %dma_start3A_367 : memref<1x128xi32, #tpu.memory_space<vmem>> -> memref<128xi32, #tpu.memory_space<vmem>>
    %dma_start3A_369 = arith.constant 0 : i32
    %dma_start3A_370 = arith.constant 0 : i32
    %dma_start3A_371 = tpu.memref_slice %arg3[%dma_start3A_369, %dma_start3A_370] : memref<100000x64xf32, #tpu.memory_space<hbm>> -> memref<100000x64xf32, #tpu.memory_space<hbm>>
    tpu.enqueue_indirect_dma source(%dma_start3A_371 : memref<100000x64xf32, #tpu.memory_space<hbm>>) target(%dma_start3A_365 : memref<128x64xf32, #tpu.memory_space<vmem>>) offsets(%dma_start3A_368 : memref<128xi32, #tpu.memory_space<vmem>>) semaphore(%arg8 : memref<!tpu.dma_semaphore, #tpu.memory_space<semaphore_mem>>)
    %dma_wait3A_372 = arith.constant 0 : i32
    %dma_wait3A_373 = arith.constant 0 : i32
    %dma_wait3A_374 = arith.constant 0 : i32
    %dma_wait3A_375 = tpu.memref_slice %arg6[%dma_wait3A_372, %dma_wait3A_373, %dma_wait3A_374] : memref<3x512x64xf32, #tpu.memory_space<vmem>> -> memref<1x512x64xf32, #tpu.memory_space<vmem>>
    %dma_wait3A_376 = tpu.memref_squeeze %dma_wait3A_375 : memref<1x512x64xf32, #tpu.memory_space<vmem>> -> memref<512x64xf32, #tpu.memory_space<vmem>>
    %dma_wait3A_377 = arith.constant 0 : i32
    %dma_wait3A_378 = arith.constant 0 : i32
    %dma_wait3A_379 = tpu.memref_slice %arg4[%dma_wait3A_377, %dma_wait3A_378] : memref<819200x64xf32, #tpu.memory_space<hbm>> -> memref<512x64xf32, #tpu.memory_space<hbm>>
    %dma_wait3A_380 = arith.constant 0 : i32
    %dma_wait3A_381 = arith.constant 0 : i32
    %dma_wait3A_382 = tpu.memref_slice %arg6[%dma_wait3A_372, %dma_wait3A_380, %dma_wait3A_381] : memref<3x512x64xf32, #tpu.memory_space<vmem>> -> memref<1x512x64xf32, #tpu.memory_space<vmem>>
    %dma_wait3A_383 = tpu.memref_squeeze %dma_wait3A_382 : memref<1x512x64xf32, #tpu.memory_space<vmem>> -> memref<512x64xf32, #tpu.memory_space<vmem>>
    %dma_wait3A_384 = arith.constant 0 : i32
    %dma_wait3A_385 = arith.constant 0 : i32
    %dma_wait3A_386 = tpu.memref_slice %arg4[%dma_wait3A_384, %dma_wait3A_385] : memref<819200x64xf32, #tpu.memory_space<hbm>> -> memref<512x64xf32, #tpu.memory_space<hbm>>
    tpu.wait_dma2 semaphore(%arg7 : memref<!tpu.dma_semaphore, #tpu.memory_space<semaphore_mem>>) src(%dma_wait3A_386 : memref<512x64xf32, #tpu.memory_space<hbm>>) dst(%dma_wait3A_383 : memref<512x64xf32, #tpu.memory_space<vmem>>)
    %add3A_387 = arith.constant 192 : i32
    %add3A_388 = arith.addi %mul3A_2, %add3A_387 : i32
    %mul3A_389 = arith.constant 128 : i32
    %mul3A_390 = arith.muli %add3A_388, %mul3A_389 : i32
    %dma_start3A_391 = arith.constant 0 : i32
    %dma_start3A_392 = arith.constant 0 : i32
    %dma_start3A_393 = arith.constant 0 : i32
    %dma_start3A_394 = tpu.memref_slice %arg6[%dma_start3A_391, %dma_start3A_392, %dma_start3A_393] : memref<3x512x64xf32, #tpu.memory_space<vmem>> -> memref<1x512x64xf32, #tpu.memory_space<vmem>>
    %dma_start3A_395 = tpu.memref_squeeze %dma_start3A_394 : memref<1x512x64xf32, #tpu.memory_space<vmem>> -> memref<512x64xf32, #tpu.memory_space<vmem>>
    %dma_start3A_396 = arith.constant 0 : i32
    %dma_start3A_397 = tpu.memref_slice %arg4[%mul3A_390, %dma_start3A_396] : memref<819200x64xf32, #tpu.memory_space<hbm>> -> memref<512x64xf32, #tpu.memory_space<hbm>>
    %dma_start3A_398 = arith.constant 0 : i32
    %dma_start3A_399 = tpu.memref_slice %arg4[%mul3A_390, %dma_start3A_398] : memref<819200x64xf32, #tpu.memory_space<hbm>> -> memref<512x64xf32, #tpu.memory_space<hbm>>
    %dma_start3A_400 = arith.constant 0 : i32
    %dma_start3A_401 = arith.constant 0 : i32
    %dma_start3A_402 = tpu.memref_slice %arg6[%dma_start3A_391, %dma_start3A_400, %dma_start3A_401] : memref<3x512x64xf32, #tpu.memory_space<vmem>> -> memref<1x512x64xf32, #tpu.memory_space<vmem>>
    %dma_start3A_403 = tpu.memref_squeeze %dma_start3A_402 : memref<1x512x64xf32, #tpu.memory_space<vmem>> -> memref<512x64xf32, #tpu.memory_space<vmem>>
    tpu.enqueue_dma source(%dma_start3A_403 : memref<512x64xf32, #tpu.memory_space<vmem>>) target(%dma_start3A_399 : memref<512x64xf32, #tpu.memory_space<hbm>>) target_semaphore(%arg10 : memref<!tpu.dma_semaphore, #tpu.memory_space<semaphore_mem>>)
    %dma_wait3A_404 = arith.constant 2 : i32
    %dma_wait3A_405 = arith.constant 0 : i32
    %dma_wait3A_406 = arith.constant 0 : i32
    %dma_wait3A_407 = tpu.memref_slice %arg6[%dma_wait3A_404, %dma_wait3A_405, %dma_wait3A_406] : memref<3x512x64xf32, #tpu.memory_space<vmem>> -> memref<1x512x64xf32, #tpu.memory_space<vmem>>
    %dma_wait3A_408 = tpu.memref_squeeze %dma_wait3A_407 : memref<1x512x64xf32, #tpu.memory_space<vmem>> -> memref<512x64xf32, #tpu.memory_space<vmem>>
    %dma_wait3A_409 = arith.constant 0 : i32
    %dma_wait3A_410 = arith.constant 0 : i32
    %dma_wait3A_411 = tpu.memref_slice %arg4[%dma_wait3A_409, %dma_wait3A_410] : memref<819200x64xf32, #tpu.memory_space<hbm>> -> memref<512x64xf32, #tpu.memory_space<hbm>>
    %dma_wait3A_412 = arith.constant 0 : i32
    %dma_wait3A_413 = arith.constant 0 : i32
    %dma_wait3A_414 = tpu.memref_slice %arg4[%dma_wait3A_412, %dma_wait3A_413] : memref<819200x64xf32, #tpu.memory_space<hbm>> -> memref<512x64xf32, #tpu.memory_space<hbm>>
    %dma_wait3A_415 = arith.constant 0 : i32
    %dma_wait3A_416 = arith.constant 0 : i32
    %dma_wait3A_417 = tpu.memref_slice %arg6[%dma_wait3A_404, %dma_wait3A_415, %dma_wait3A_416] : memref<3x512x64xf32, #tpu.memory_space<vmem>> -> memref<1x512x64xf32, #tpu.memory_space<vmem>>
    %dma_wait3A_418 = tpu.memref_squeeze %dma_wait3A_417 : memref<1x512x64xf32, #tpu.memory_space<vmem>> -> memref<512x64xf32, #tpu.memory_space<vmem>>
    tpu.wait_dma2 semaphore(%arg12 : memref<!tpu.dma_semaphore, #tpu.memory_space<semaphore_mem>>) src(%dma_wait3A_418 : memref<512x64xf32, #tpu.memory_space<vmem>>) dst(%dma_wait3A_414 : memref<512x64xf32, #tpu.memory_space<hbm>>)
    %dma_wait3A_419 = arith.constant 1 : i32
    %dma_wait3A_420 = arith.constant 0 : i32
    %dma_wait3A_421 = arith.constant 0 : i32
    %dma_wait3A_422 = tpu.memref_slice %arg6[%dma_wait3A_419, %dma_wait3A_420, %dma_wait3A_421] : memref<3x512x64xf32, #tpu.memory_space<vmem>> -> memref<1x512x64xf32, #tpu.memory_space<vmem>>
    %dma_wait3A_423 = tpu.memref_squeeze %dma_wait3A_422 : memref<1x512x64xf32, #tpu.memory_space<vmem>> -> memref<512x64xf32, #tpu.memory_space<vmem>>
    %dma_wait3A_424 = arith.constant 0 : i32
    %dma_wait3A_425 = arith.constant 0 : i32
    %dma_wait3A_426 = tpu.memref_slice %arg4[%dma_wait3A_424, %dma_wait3A_425] : memref<819200x64xf32, #tpu.memory_space<hbm>> -> memref<512x64xf32, #tpu.memory_space<hbm>>
    %dma_wait3A_427 = arith.constant 0 : i32
    %dma_wait3A_428 = arith.constant 0 : i32
    %dma_wait3A_429 = tpu.memref_slice %arg6[%dma_wait3A_419, %dma_wait3A_427, %dma_wait3A_428] : memref<3x512x64xf32, #tpu.memory_space<vmem>> -> memref<1x512x64xf32, #tpu.memory_space<vmem>>
    %dma_wait3A_430 = tpu.memref_squeeze %dma_wait3A_429 : memref<1x512x64xf32, #tpu.memory_space<vmem>> -> memref<512x64xf32, #tpu.memory_space<vmem>>
    %dma_wait3A_431 = arith.constant 0 : i32
    %dma_wait3A_432 = arith.constant 0 : i32
    %dma_wait3A_433 = tpu.memref_slice %arg4[%dma_wait3A_431, %dma_wait3A_432] : memref<819200x64xf32, #tpu.memory_space<hbm>> -> memref<512x64xf32, #tpu.memory_space<hbm>>
    tpu.wait_dma2 semaphore(%arg8 : memref<!tpu.dma_semaphore, #tpu.memory_space<semaphore_mem>>) src(%dma_wait3A_433 : memref<512x64xf32, #tpu.memory_space<hbm>>) dst(%dma_wait3A_430 : memref<512x64xf32, #tpu.memory_space<vmem>>)
    %add3A_434 = arith.constant 196 : i32
    %add3A_435 = arith.addi %mul3A_2, %add3A_434 : i32
    %mul3A_436 = arith.constant 128 : i32
    %mul3A_437 = arith.muli %add3A_435, %mul3A_436 : i32
    %dma_start3A_438 = arith.constant 1 : i32
    %dma_start3A_439 = arith.constant 0 : i32
    %dma_start3A_440 = arith.constant 0 : i32
    %dma_start3A_441 = tpu.memref_slice %arg6[%dma_start3A_438, %dma_start3A_439, %dma_start3A_440] : memref<3x512x64xf32, #tpu.memory_space<vmem>> -> memref<1x512x64xf32, #tpu.memory_space<vmem>>
    %dma_start3A_442 = tpu.memref_squeeze %dma_start3A_441 : memref<1x512x64xf32, #tpu.memory_space<vmem>> -> memref<512x64xf32, #tpu.memory_space<vmem>>
    %dma_start3A_443 = arith.constant 0 : i32
    %dma_start3A_444 = tpu.memref_slice %arg4[%mul3A_437, %dma_start3A_443] : memref<819200x64xf32, #tpu.memory_space<hbm>> -> memref<512x64xf32, #tpu.memory_space<hbm>>
    %dma_start3A_445 = arith.constant 0 : i32
    %dma_start3A_446 = tpu.memref_slice %arg4[%mul3A_437, %dma_start3A_445] : memref<819200x64xf32, #tpu.memory_space<hbm>> -> memref<512x64xf32, #tpu.memory_space<hbm>>
    %dma_start3A_447 = arith.constant 0 : i32
    %dma_start3A_448 = arith.constant 0 : i32
    %dma_start3A_449 = tpu.memref_slice %arg6[%dma_start3A_438, %dma_start3A_447, %dma_start3A_448] : memref<3x512x64xf32, #tpu.memory_space<vmem>> -> memref<1x512x64xf32, #tpu.memory_space<vmem>>
    %dma_start3A_450 = tpu.memref_squeeze %dma_start3A_449 : memref<1x512x64xf32, #tpu.memory_space<vmem>> -> memref<512x64xf32, #tpu.memory_space<vmem>>
    tpu.enqueue_dma source(%dma_start3A_450 : memref<512x64xf32, #tpu.memory_space<vmem>>) target(%dma_start3A_446 : memref<512x64xf32, #tpu.memory_space<hbm>>) target_semaphore(%arg11 : memref<!tpu.dma_semaphore, #tpu.memory_space<semaphore_mem>>)
    %dma_wait3A_451 = arith.constant 0 : i32
    %dma_wait3A_452 = arith.constant 0 : i32
    %dma_wait3A_453 = arith.constant 0 : i32
    %dma_wait3A_454 = tpu.memref_slice %arg6[%dma_wait3A_451, %dma_wait3A_452, %dma_wait3A_453] : memref<3x512x64xf32, #tpu.memory_space<vmem>> -> memref<1x512x64xf32, #tpu.memory_space<vmem>>
    %dma_wait3A_455 = tpu.memref_squeeze %dma_wait3A_454 : memref<1x512x64xf32, #tpu.memory_space<vmem>> -> memref<512x64xf32, #tpu.memory_space<vmem>>
    %dma_wait3A_456 = arith.constant 0 : i32
    %dma_wait3A_457 = arith.constant 0 : i32
    %dma_wait3A_458 = tpu.memref_slice %arg4[%dma_wait3A_456, %dma_wait3A_457] : memref<819200x64xf32, #tpu.memory_space<hbm>> -> memref<512x64xf32, #tpu.memory_space<hbm>>
    %dma_wait3A_459 = arith.constant 0 : i32
    %dma_wait3A_460 = arith.constant 0 : i32
    %dma_wait3A_461 = tpu.memref_slice %arg4[%dma_wait3A_459, %dma_wait3A_460] : memref<819200x64xf32, #tpu.memory_space<hbm>> -> memref<512x64xf32, #tpu.memory_space<hbm>>
    %dma_wait3A_462 = arith.constant 0 : i32
    %dma_wait3A_463 = arith.constant 0 : i32
    %dma_wait3A_464 = tpu.memref_slice %arg6[%dma_wait3A_451, %dma_wait3A_462, %dma_wait3A_463] : memref<3x512x64xf32, #tpu.memory_space<vmem>> -> memref<1x512x64xf32, #tpu.memory_space<vmem>>
    %dma_wait3A_465 = tpu.memref_squeeze %dma_wait3A_464 : memref<1x512x64xf32, #tpu.memory_space<vmem>> -> memref<512x64xf32, #tpu.memory_space<vmem>>
    tpu.wait_dma2 semaphore(%arg10 : memref<!tpu.dma_semaphore, #tpu.memory_space<semaphore_mem>>) src(%dma_wait3A_465 : memref<512x64xf32, #tpu.memory_space<vmem>>) dst(%dma_wait3A_461 : memref<512x64xf32, #tpu.memory_space<hbm>>)
    %dma_wait3A_466 = arith.constant 1 : i32
    %dma_wait3A_467 = arith.constant 0 : i32
    %dma_wait3A_468 = arith.constant 0 : i32
    %dma_wait3A_469 = tpu.memref_slice %arg6[%dma_wait3A_466, %dma_wait3A_467, %dma_wait3A_468] : memref<3x512x64xf32, #tpu.memory_space<vmem>> -> memref<1x512x64xf32, #tpu.memory_space<vmem>>
    %dma_wait3A_470 = tpu.memref_squeeze %dma_wait3A_469 : memref<1x512x64xf32, #tpu.memory_space<vmem>> -> memref<512x64xf32, #tpu.memory_space<vmem>>
    %dma_wait3A_471 = arith.constant 0 : i32
    %dma_wait3A_472 = arith.constant 0 : i32
    %dma_wait3A_473 = tpu.memref_slice %arg4[%dma_wait3A_471, %dma_wait3A_472] : memref<819200x64xf32, #tpu.memory_space<hbm>> -> memref<512x64xf32, #tpu.memory_space<hbm>>
    %dma_wait3A_474 = arith.constant 0 : i32
    %dma_wait3A_475 = arith.constant 0 : i32
    %dma_wait3A_476 = tpu.memref_slice %arg4[%dma_wait3A_474, %dma_wait3A_475] : memref<819200x64xf32, #tpu.memory_space<hbm>> -> memref<512x64xf32, #tpu.memory_space<hbm>>
    %dma_wait3A_477 = arith.constant 0 : i32
    %dma_wait3A_478 = arith.constant 0 : i32
    %dma_wait3A_479 = tpu.memref_slice %arg6[%dma_wait3A_466, %dma_wait3A_477, %dma_wait3A_478] : memref<3x512x64xf32, #tpu.memory_space<vmem>> -> memref<1x512x64xf32, #tpu.memory_space<vmem>>
    %dma_wait3A_480 = tpu.memref_squeeze %dma_wait3A_479 : memref<1x512x64xf32, #tpu.memory_space<vmem>> -> memref<512x64xf32, #tpu.memory_space<vmem>>
    tpu.wait_dma2 semaphore(%arg11 : memref<!tpu.dma_semaphore, #tpu.memory_space<semaphore_mem>>) src(%dma_wait3A_480 : memref<512x64xf32, #tpu.memory_space<vmem>>) dst(%dma_wait3A_476 : memref<512x64xf32, #tpu.memory_space<hbm>>)
    return
  }
}

</mosaic_0001>

<sc_bundles>
// kernel: kernel.3.cloned.1.call-start
scs
__scs_entry_jumppad:
0x0: {  	(pc) =	sbr.rel $0x88, $3  }
0x1: {  	(tag) =	ssettag $0x0;
	lr =	simm.s32 $0x1  }
0x2: {  	[smem:$0x3F9F] =	sst lr;
	_ =	strace $0xD0000000  }
0x3: {  	_ = 	snop  }
0x4: {  	_ = 	snop  }
0x5: {  	_ = 	snop  }
0x6: {  	_ = 	snop  }
0x7: {  	_ = 	snop  }
__scs_overlays_trampoline_lowered:
0x8: {  	[smem:$0x3FAE] =	sst s0  }
0x9: {  	[smem:$0x3FAF] =	sst s1  }
0xa: {  	[smem:$0x3FB0] =	sst s2  }
0xb: {  	[smem:$0x3FB1] =	sst s3  }
0xc: {  	[smem:$0x3FB2] =	sst s4  }
0xd: {  	[smem:$0x3FB3] =	sst s5  }
0xe: {  	[smem:$0x3FB4] =	sst s6  }
0xf: {  	[smem:$0x3FB5] =	sst s7  }
0x10: {  	[smem:$0x3FB6] =	sst s8  }
0x11: {  	[smem:$0x3FB7] =	sst s9;
	s0 =	simm.s32 @!p0 $0x0  }
0x12: {  	s1 =	sld [smem:$0x3F9D];
	s0 =	simm.s32 @p0 $0x1  }
0x13: {  	[smem:$0x3FB8] =	sst s0;
	s0 =	simm.s32 @!p1 $0x0  }
0x14: {  	s2 =	sld [smem:$0x3F9C];
	s0 =	simm.s32 @p1 $0x1  }
0x15: {  	[smem:$0x3FB9] =	sst s0;
	s0 =	simm.s32 @!p2 $0x0  }
0x16: {  	s3 =	sld [smem:$0x3FDB];
	s0 =	simm.s32 @p2 $0x1  }
0x17: {  	s4 =	simm.s32 $0x1BF5;
	[smem:$0x3FBB] =	sst s0  }
0x18: {  	s0 =	sld [smem:$0x3F9E];
	_ =	swait.ge [sflag:s4], $0x0  }
0x19: {  	s7 =	sld [smem:$0x3F9F]  }
0x1a: {  	s8 =	sadd.s32 $0xFFFFE003, lr  }
0x1b: {  	s9 =	sadd.s32 $0xFFFFFEF7, lr;
	s5 =	simm.s32 $0xFFFFFFFF;
	p2 =	slt.u32 s8, $0xFFFFF086  }
0x1c: {  	p1 =	slt.u32 s9, $0xF7A;
	s5 =	simm.s32 @!p2 $0x0  }
0x1d: {  	s5 =	simm.s32 @p1 $0x1;
	p0 =	seq.s32 s7, s2  }
0x1e: {  	s7 =	smul.u32 @!p0 $0xF7A, s2;
	p2 =	seq.s32 @!p0 s5, $0x0  }
0x1f: {  	s9 =	smul.u32 $0xF7A, s1;
	s8 =	simm.s32 @!p0 $0x1BF5;
	p2 =	por !p2, p0  }
0x20: {  	[sflag:s8] =	ssyncset.s32 @!p0 $0xFFFFF086;
	s6 =	sadd.s32 @!p0 s3, s7;
	s7 =	simm.s32 @!p0 $0x108  }
0x21: {  	s3 =	sadd.s32 s3, s9;
	s6 =	sadd.s32 @!p0 $0x88, s6;
	s7 =	simm.s32 @p2 $0x1082  }
0x22: {  	[simem:s7], [sflag:s8] =	dma.local @!p0 [hbm:s6], $0xF7A  }
0x23: {  	s9 =	sor.u32 $0xD0000000, s2;
	s6 =	simm.s32 $0x108;
	_ =	swait.ge @!p0 [sflag:s8], $0x0  }
0x24: {  	s3 =	sadd.s32 $0x88, s3;
	s6 =	simm.s32 @!p1 $0x1082;
	[sflag:s4] =	ssyncset.s32 $0xFFFFF086  }
0x25: {  	[simem:s6], [sflag:s4] =	dma.local [hbm:s3], $0xF7A  }
0x26: {  	[smem:$0x3F9F] =	sst s1;
	(tag) =	ssettag s2;
	_ =	strace s9  }
0x27: {  	s1 =	sld [smem:$0x3FAF]  }
0x28: {  	s2 =	sld [smem:$0x3FB0]  }
0x29: {  	s4 =	sld [smem:$0x3FB2]  }
0x2a: {  	p0 =	seq.s32 s5, $0x0;
	s5 =	sld [smem:$0x3FB3]  }
0x2b: {  	s6 =	sld [smem:$0x3FB4]  }
0x2c: {  	s7 =	sld [smem:$0x3FB5]  }
0x2d: {  	s3 =	simm.s32 $0x108;
	s8 =	sld [smem:$0x3FB6]  }
0x2e: {  	s3 =	simm.s32 @!p0 $0x1082;
	s9 =	sld [smem:$0x3FB7]  }
0x2f: {  	lr =	sadd.s32 s0, s3;
	s0 =	sld [smem:$0x3FAE]  }
0x30: {  	s3 =	sld [smem:$0x3FB1]  }
0x31: {  	[smem:$0x3FBA] =	sst s10  }
0x32: {  	s10 =	sld [smem:$0x3FB8];
	_ =	sdelay $0x3  }
0x33: {  	p0 =	seq.s32 s10, $0x1;
	s10 =	sld [smem:$0x3FBA];
	_ =	sdelay $0x3  }
0x34: {  	[smem:$0x3FBA] =	sst s10  }
0x35: {  	s10 =	sld [smem:$0x3FB9];
	_ =	sdelay $0x3  }
0x36: {  	p1 =	seq.s32 s10, $0x1;
	s10 =	sld [smem:$0x3FBA];
	_ =	sdelay $0x3  }
0x37: {  	[smem:$0x3FBA] =	sst s10  }
0x38: {  	s10 =	sld [smem:$0x3FBB]  }
0x39: {  	_ = 	snop;
	(pc) =	sbr.ind lr, $3  }
0x3a: {  	_ = 	snop  }
0x3b: {  	_ = 	snop  }
0x3c: {  	p2 =	seq.s32 s10, $0x1;
	s10 =	sld [smem:$0x3FBA]  }
0x3d: {  	_ =	shalt  }
0x3e: {  	_ =	shalt  }
0x3f: {  	_ =	shalt  }
0x40: {  	_ =	shalt  }
0x41: {  	_ =	shalt  }
0x42: {  	_ =	shalt  }
0x43: {  	_ =	shalt  }
0x44: {  	_ =	shalt  }
0x45: {  	_ =	shalt  }
0x46: {  	_ =	shalt  }
0x47: {  	_ =	shalt  }
0x48: {  	_ =	shalt  }
0x49: {  	_ =	shalt  }
0x4a: {  	_ =	shalt  }
0x4b: {  	_ =	shalt  }
0x4c: {  	_ =	shalt  }
0x4d: {  	_ =	shalt  }
0x4e: {  	_ =	shalt  }
0x4f: {  	_ =	shalt  }
0x50: {  	_ =	shalt  }
0x51: {  	_ =	shalt  }
0x52: {  	_ =	shalt  }
0x53: {  	_ =	shalt  }
0x54: {  	_ =	shalt  }
0x55: {  	_ =	shalt  }
0x56: {  	_ =	shalt  }
0x57: {  	_ =	shalt  }
0x58: {  	_ =	shalt  }
0x59: {  	_ =	shalt  }
0x5a: {  	_ =	shalt  }
0x5b: {  	_ =	shalt  }
0x5c: {  	_ =	shalt  }
0x5d: {  	_ =	shalt  }
0x5e: {  	_ =	shalt  }
0x5f: {  	_ =	shalt  }
0x60: {  	_ =	shalt  }
0x61: {  	_ =	shalt  }
0x62: {  	_ =	shalt  }
0x63: {  	_ =	shalt  }
0x64: {  	_ =	shalt  }
0x65: {  	_ =	shalt  }
0x66: {  	_ =	shalt  }
0x67: {  	_ =	shalt  }
0x68: {  	_ =	shalt  }
0x69: {  	_ =	shalt  }
0x6a: {  	_ =	shalt  }
0x6b: {  	_ =	shalt  }
0x6c: {  	_ =	shalt  }
0x6d: {  	_ =	shalt  }
0x6e: {  	_ =	shalt  }
0x6f: {  	_ =	shalt  }
0x70: {  	_ =	shalt  }
0x71: {  	_ =	shalt  }
0x72: {  	_ =	shalt  }
0x73: {  	_ =	shalt  }
0x74: {  	_ =	shalt  }
0x75: {  	_ =	shalt  }
0x76: {  	_ =	shalt  }
0x77: {  	_ =	shalt  }
0x78: {  	_ =	shalt  }
0x79: {  	_ =	shalt  }
0x7a: {  	_ =	shalt  }
0x7b: {  	_ =	shalt  }
0x7c: {  	_ =	shalt  }
0x7d: {  	_ =	shalt  }
0x7e: {  	_ =	shalt  }
0x7f: {  	_ =	shalt  }
0x80: {  	_ =	shalt  }
0x81: {  	_ =	shalt  }
0x82: {  	_ =	shalt  }
0x83: {  	_ =	shalt  }
0x84: {  	_ =	shalt  }
0x85: {  	_ =	shalt  }
0x86: {  	_ =	shalt  }
0x87: {  	_ =	shalt  }
.Lfunc_end0:
.L_simem_size_0:
called_computation.1_lowered:
.L_overlay_start_0:
0x88: {  	s2 =	sld [smem:$0x3FD9]  }
0x89: {  	s3 =	sld [smem:$0x3FFE];
	_ =	sdelay $0x1  }
0x8a: {  	s1 =	srdreg.scid  }
0x8b: {  	s0 =	sand.u32 $0x1, s1  }
0x8c: {  	s17 =	sshll.u32 s0, $0xA;
	s2 =	sadd.s32 s3, s2  }
0x8d: {  	s2 =	sadd.s32 s2, s17  }
0x8e: {  	[smem:$0x3FC6] =	sst s2  }
0x8f: {  	_ = 	snop  }
0x90: {  	s2 =	sld [smem:$0x3FD0];
	(tm) =	ssettm $0x1  }
0x91: {  	s18 =	sld [smem:$0x3FFB];
	_ =	sdelay $0x3  }
0x92: {  	_ =	strace s18  }
0x93: {  	s3 =	sld [smem:$0x3FFC];
	_ =	sdelay $0x3  }
0x94: {  	_ =	strace s3  }
0x95: {  	s3 =	sld [smem:$0x3FFD];
	_ =	sdelay $0x3  }
0x96: {  	_ =	strace s3  }
0x97: {  	_ =	strace $0x8FFFFFFF  }
0x98: {  	s19 =	sld [smem:$0x3FDB];
	_ =	sdelay $0x1  }
0x99: {  	s4 =	simm.s32 $_scs_section_size  }
0x9a: {  	s5 =	simm.s32 $_size__tile_overlayer_lowered;
	s6 =	simm.s32 $_tile_overlayer_lowered  }
0x9b: {  	s22 =	simm.s32 $0x1BFF;
	s21 =	sshll.u32 s6, $0x1;
	s3 =	sadd.s32 s4, s19  }
0x9c: {  	s7 =	simm.s32 $0x0;
	s20 =	sshll.u32 s5, $0x1;
	s5 =	sadd.s32 s21, s3  }
0x9d: {  	[timem:s7], [sflag:s22] =	dma.local [hbm:s5], s20  }
0x9e: {  	_ =	swait.ge [sflag:s22], s20  }
0x9f: {  	s4 =	ssub.s32 $0x0, s20;
	[sflag:s22] =	ssyncset.done $0x0  }
0xa0: {  	[sflag:s22] =	ssyncadd.s32 s4;
	_ =	sdelay $0x1  }
0xa1: {  	s23 =	simm.s32 $0x1B8B  }
0xa2: {  	_ =	swait.ge [sflag:s23], $0x1  }
0xa3: {  	[sflag:s23] =	ssyncset.done $0x0  }
0xa4: {  	s25 =	simm.s32 $0x1B8E;
	s24 =	sld [smem:$0x3FFE];
	[sflag:s23] =	ssyncadd.s32 $0xFFFFFFFF  }
0xa5: {  	s26 =	simm.s32 $execute0_lowered;
	[smem:$0x3FD2] =	sst s25  }
0xa6: {  	s5 =	sshll.u32 s26, $0x1;
	_ =	strace $0x80000046;
	[dreg:$0x1] =	wrdreg $0xFFFFFFFF  }
0xa7: {  	s28 =	simm.s32 $_size_execute0_lowered;
	s3 =	sadd.s32 s3, s5;
	[dreg:$0x0] =	wrdreg $0x0  }
0xa8: {  	s5 =	sshll.u32 s28, $0x1;
	[dreg:$0x2] =	wrdreg s3  }
0xa9: {  	[dreg:$0x3] =	wrdreg s5  }
0xaa: {  	[dreg:$0x4] =	wrdreg $0xC0  }
0xab: {  	_ =	task [dreg:s7], $0x5FFFF  }
0xac: {  	[dreg:$0x1] =	wrdreg $0xFFFFFFFF  }
0xad: {  	[dreg:$0x0] =	wrdreg $0x60  }
0xae: {  	[dreg:$0x2] =	wrdreg s24  }
0xaf: {  	[dreg:$0x3] =	wrdreg s2  }
0xb0: {  	[dreg:$0x4] =	wrdreg $0x9  }
0xb1: {  	_ =	task.clear_ibuf [dreg:s7], $0x5FFFF;
	_ =	strace $0x90000046  }
0xb2: {  	s29 =	simm.s32 $0x9;
	_ =	strace $0x80000048  }
0xb3: {  	_ =	swait.ge [sflag:s29], $0x1  }
0xb4: {  	[sflag:s29] =	ssyncadd.s32 $0xFFFFFFFF  }
0xb5: {  	_ =	strace $0x90000048  }
0xb6: {  	_ =	sfence  }
0xb7: {  	s30 =	sld [smem:$0x0];
	_ =	sdelay $0x2  }
0xb8: {  	s31 =	sshll.u32 s1, $0xD;
	s1 =	sshrl.u32 s1, $0x2  }
0xb9: {  	s3 =	sand.u32 $0x4000, s31;
	s1 =	sadd.s32 s1, s30  }
0xba: {  	s0 =	sor.u32 s3, s0;
	s1 =	sshll.u32 s1, $0x11  }
0xbb: {  	s0 =	sor.u32 s1, s0  }
0xbc: {  	s0 =	sadd.s32 $0x8F2B, s0  }
0xbd: {  	[sflag:s0] =	ssyncadd.remote.s32 $0x1  }
0xbe: {  	_ =	sfence.sel $0xFFFF  }
0xbf: {  	[dreg:$0x0] =	wrdreg $0xFFFFFFFF;
	(pc) =	sbr.abs _section_cstart, $3  }
0xc0: {  	[dreg:$0x1] =	wrdreg $0xFFFFFFFF  }
0xc1: {  	_ =	task.clear_ibuf [dreg:s7], $0x2FFFF;
	_ =	strace $0x9FFFFFFF  }
0xc2: {  	(tm) =	ssettm $0x7FFFFFFF  }
0xc3: {  	_ =	shalt  }
tec
execute0_lowered:
.L_overlay_start_1:
0x0: {  	(tag) =	ssettag $0x1  }
0x1: {  	s0 =	srdreg.scid;
	s1 =	rddreg [dreg:$0x0]  }
0x2: {  	s8 =	stileid.u32;
	s4 =	rddreg [dreg:$0x1];
	s15 =	simm.s32 $0x80  }
0x3: {  	s16 =	simm.s32 $0x6400;
	s17 =	simm.s32 $0x8400;
	s19 =	simm.s32 $0xA400  }
0x4: {  	s21 =	simm.s32 $0xC400;
	s28 =	simm.s32 $0x12400;
	s30 =	simm.s32 $0x14400  }
0x5: {  	s0 =	sand.u32 $0x1, s0;
	s2 =	sshll.u32 s8, $0x1;
	s8 =	smul.u32 $0x190, s8  }
0x6: {  	s3 =	sor.u32 s0, s2;
	s22 =	ssub.s32 $0x2, s0;
	s0 =	smul.u32 $0xC8, s0  }
0x7: {  	s31 =	simm.s32 $0x1;
	s20 =	simm.s32 $0x18400;
	s5 =	smul.u32 $0xC80, s3  }
0x8: {  	s29 =	simm.s32 $0x1C400;
	s2 =	simm.s32 $0x0;
	s6 =	smul.u32 $0x32000, s3  }
0x9: {  	s18 =	simm.s32 $0x4;
	[smem:$0x7FF] =	sst s2;
	s7 =	smul.u32 $0x190000, s3  }
0xa: {  	s3 =	sadd.s32 $0x19800, s1;
	s9 =	sshrl.u32 s22, $0x1;
	_ =	strace $0x80000047  }
0xb: {  	s0 =	sadd.s32 s0, s8;
	s5 =	sadd.s32 s5, s1;
	s7 =	sshrl.u32 s7, $0x3  }
0xc: {  	s1 =	ssub.s32 s22, s9;
	s6 =	sadd.s32 s4, s6;
	s0 =	sshll.u32 s0, $0xA  }
0xd: {  	s22 =	simm.s32 $0x3;
	s5 =	sadd.s32 $0x800, s5;
	s23 =	sadd.s32 s4, s7  }
0xe: {  	[dreg:$0x4] =	wrdreg s6;
	s1 =	smax.u32 s1, $0x1;
	s0 =	sadd.s32 s4, s0  }
0xf: {  	s4 =	simm.s32 $0x6;
	[dreg:$0x3] =	wrdreg s5;
	s24 =	sadd.s32 $0x2E000, s23  }
0x10: {  	s25 =	sadd.s32 $0x2F000, s23;
	s26 =	sadd.s32 $0x30000, s23;
	[dreg:$0x9] =	wrdreg s1  }
0x11: {  	s5 =	sadd.s32 $0x31000, s23;
	s11 =	sadd.s32 $0x2000, s0;
	[dreg:$0x5] =	wrdreg s24  }
0x12: {  	s12 =	sadd.s32 $0x1000, s0;
	s13 =	sadd.s32 $0x3000, s0;
	[dreg:$0x6] =	wrdreg s25  }
0x13: {  	s23 =	simm.s32 $0xE400;
	s0 =	simm.s32 $0x16400;
	[dreg:$0x7] =	wrdreg s26  }
0x14: {  	s1 =	simm.s32 $0x2;
	[dreg:$0x8] =	wrdreg s5;
	s25 =	simm.s32 $0x10400  }
0x15: {  	s24 =	simm.s32 $0x1A400;
	s26 =	simm.s32 $0x5;
	s5 =	simm.s32 $0x0  }
.LBB2_1:
0x16: {  	s6 =	rddreg [dreg:$0x3];
	s9 =	simm.s32 $0x7  }
0x17: {  	[tilespmem:s2], [sflag:$0x7] =	stream.linear.gather [hbm4b:s6+s2], $0x6400, $0x38;
	[tilespmem:$0x1E400] =	vst v63  }
0x18: {  	_ =	swait.ge [sflag:s9], $0x6400  }
0x19: {  	[sflag:s9] =	ssyncset.done $0x0  }
0x1a: {  	[sflag:s9] =	ssyncadd.s32 $0xFFFF9C00  }
0x1b: {  	[tilespmem:s16], [sflag:$0x1] =	stream.indirect.gather [hbm4b:s3+s15], $0x40, s2, s15, $0xb8;
	[tilespmem:$0x1E400] =	vst v63  }
0x1c: {  	_ = 	snop  }
0x1d: {  	[tilespmem:s17], [sflag:$0x1] =	stream.indirect.gather [hbm4b:s3+s15], $0x40, s15, s15, $0xb8;
	[tilespmem:$0x1E400] =	vst v63  }
0x1e: {  	s10 =	simm.s32 $0x100  }
0x1f: {  	[tilespmem:s19], [sflag:$0x1] =	stream.indirect.gather [hbm4b:s3+s15], $0x40, s10, s15, $0xb8;
	[tilespmem:$0x1E400] =	vst v63  }
0x20: {  	s14 =	simm.s32 $0x180  }
0x21: {  	[tilespmem:s21], [sflag:$0x1] =	stream.indirect.gather [hbm4b:s3+s15], $0x40, s14, s15, $0xb8;
	[tilespmem:$0x1E400] =	vst v63  }
0x22: {  	s7 =	simm.s32 $0x200  }
0x23: {  	[tilespmem:s23], [sflag:$0x2] =	stream.indirect.gather [hbm4b:s3+s15], $0x40, s7, s15, $0xb8;
	[tilespmem:$0x1E400] =	vst v63  }
0x24: {  	s8 =	simm.s32 $0x280  }
0x25: {  	[tilespmem:s25], [sflag:$0x2] =	stream.indirect.gather [hbm4b:s3+s15], $0x40, s8, s15, $0xb8;
	[tilespmem:$0x1E400] =	vst v63  }
0x26: {  	s9 =	simm.s32 $0x300  }
0x27: {  	[tilespmem:s28], [sflag:$0x2] =	stream.indirect.gather [hbm4b:s3+s15], $0x40, s9, s15, $0xb8;
	[tilespmem:$0x1E400] =	vst v63  }
0x28: {  	s10 =	simm.s32 $0x380  }
0x29: {  	[tilespmem:s30], [sflag:$0x2] =	stream.indirect.gather [hbm4b:s3+s15], $0x40, s10, s15, $0xb8;
	[tilespmem:$0x1E400] =	vst v63  }
0x2a: {  	_ =	swait.ge [sflag:s31], $0x8000  }
0x2b: {  	[sflag:s31] =	ssyncset.done $0x0  }
0x2c: {  	s14 =	rddreg [dreg:$0x4];
	[sflag:s31] =	ssyncadd.s32 $0xFFFF8000  }
0x2d: {  	[hbm4b:s14+s2] =	stream.linear.scatter [tilespmem:s16], [sflag:$0x4], $0x8000, $0x38;
	[tilespmem:$0x1E400] =	vst v63  }
0x2e: {  	s7 =	simm.s32 $0x400  }
0x2f: {  	[tilespmem:s0], [sflag:$0x3] =	stream.indirect.gather [hbm4b:s3+s15], $0x40, s7, s15, $0xb8;
	[tilespmem:$0x1E400] =	vst v63  }
0x30: {  	s8 =	simm.s32 $0x480  }
0x31: {  	[tilespmem:s20], [sflag:$0x3] =	stream.indirect.gather [hbm4b:s3+s15], $0x40, s8, s15, $0xb8;
	[tilespmem:$0x1E400] =	vst v63  }
0x32: {  	s9 =	simm.s32 $0x500  }
0x33: {  	[tilespmem:s24], [sflag:$0x3] =	stream.indirect.gather [hbm4b:s3+s15], $0x40, s9, s15, $0xb8;
	[tilespmem:$0x1E400] =	vst v63  }
0x34: {  	s10 =	simm.s32 $0x580  }
0x35: {  	[tilespmem:s29], [sflag:$0x3] =	stream.indirect.gather [hbm4b:s3+s15], $0x40, s10, s15, $0xb8;
	[tilespmem:$0x1E400] =	vst v63  }
0x36: {  	_ =	swait.ge [sflag:s1], $0x8000  }
0x37: {  	[sflag:s1] =	ssyncset.done $0x0  }
0x38: {  	[sflag:s1] =	ssyncadd.s32 $0xFFFF8000  }
0x39: {  	[hbm4b:s12+s2] =	stream.linear.scatter [tilespmem:s23], [sflag:$0x5], $0x8000, $0x38;
	[tilespmem:$0x1E400] =	vst v63  }
0x3a: {  	_ =	swait.ge [sflag:s18], $0x8000  }
0x3b: {  	[sflag:s18] =	ssyncset.done $0x0  }
0x3c: {  	s14 =	simm.s32 $0x600;
	[sflag:s18] =	ssyncadd.s32 $0xFFFF8000  }
0x3d: {  	[tilespmem:s16], [sflag:$0x1] =	stream.indirect.gather [hbm4b:s3+s15], $0x40, s14, s15, $0xb8;
	[tilespmem:$0x1E400] =	vst v63  }
0x3e: {  	s7 =	simm.s32 $0x680  }
0x3f: {  	[tilespmem:s17], [sflag:$0x1] =	stream.indirect.gather [hbm4b:s3+s15], $0x40, s7, s15, $0xb8;
	[tilespmem:$0x1E400] =	vst v63  }
0x40: {  	s8 =	simm.s32 $0x700  }
0x41: {  	[tilespmem:s19], [sflag:$0x1] =	stream.indirect.gather [hbm4b:s3+s15], $0x40, s8, s15, $0xb8;
	[tilespmem:$0x1E400] =	vst v63  }
0x42: {  	s9 =	simm.s32 $0x780  }
0x43: {  	[tilespmem:s21], [sflag:$0x1] =	stream.indirect.gather [hbm4b:s3+s15], $0x40, s9, s15, $0xb8;
	[tilespmem:$0x1E400] =	vst v63  }
0x44: {  	_ =	swait.ge [sflag:s22], $0x8000  }
0x45: {  	[sflag:s22] =	ssyncset.done $0x0  }
0x46: {  	[sflag:s22] =	ssyncadd.s32 $0xFFFF8000  }
0x47: {  	[hbm4b:s11+s2] =	stream.linear.scatter [tilespmem:s0], [sflag:$0x6], $0x8000, $0x38;
	[tilespmem:$0x1E400] =	vst v63  }
0x48: {  	_ =	swait.ge [sflag:s26], $0x8000  }
0x49: {  	[sflag:s26] =	ssyncset.done $0x0  }
0x4a: {  	s10 =	simm.s32 $0x800;
	[sflag:s26] =	ssyncadd.s32 $0xFFFF8000  }
0x4b: {  	[tilespmem:s23], [sflag:$0x2] =	stream.indirect.gather [hbm4b:s3+s15], $0x40, s10, s15, $0xb8;
	[tilespmem:$0x1E400] =	vst v63  }
0x4c: {  	s14 =	simm.s32 $0x880  }
0x4d: {  	[tilespmem:s25], [sflag:$0x2] =	stream.indirect.gather [hbm4b:s3+s15], $0x40, s14, s15, $0xb8;
	[tilespmem:$0x1E400] =	vst v63  }
0x4e: {  	s7 =	simm.s32 $0x900  }
0x4f: {  	[tilespmem:s28], [sflag:$0x2] =	stream.indirect.gather [hbm4b:s3+s15], $0x40, s7, s15, $0xb8;
	[tilespmem:$0x1E400] =	vst v63  }
0x50: {  	s8 =	simm.s32 $0x980  }
0x51: {  	[tilespmem:s30], [sflag:$0x2] =	stream.indirect.gather [hbm4b:s3+s15], $0x40, s8, s15, $0xb8;
	[tilespmem:$0x1E400] =	vst v63  }
0x52: {  	_ =	swait.ge [sflag:s31], $0x8000  }
0x53: {  	[sflag:s31] =	ssyncset.done $0x0  }
0x54: {  	[sflag:s31] =	ssyncadd.s32 $0xFFFF8000  }
0x55: {  	[hbm4b:s13+s2] =	stream.linear.scatter [tilespmem:s16], [sflag:$0x4], $0x8000, $0x38;
	[tilespmem:$0x1E400] =	vst v63  }
0x56: {  	_ =	swait.ge [sflag:s4], $0x8000  }
0x57: {  	[sflag:s4] =	ssyncset.done $0x0  }
0x58: {  	s6 =	simm.s32 $0x1800;
	s9 =	simm.s32 $0xA00;
	[sflag:s4] =	ssyncadd.s32 $0xFFFF8000  }
0x59: {  	[tilespmem:s0], [sflag:$0x3] =	stream.indirect.gather [hbm4b:s3+s15], $0x40, s9, s15, $0xb8;
	[tilespmem:$0x1E400] =	vst v63  }
0x5a: {  	s10 =	simm.s32 $0xA80;
	s14 =	simm.s32 $0xB00;
	s7 =	sadd.s32 $0x3000, s13  }
0x5b: {  	[tilespmem:s20], [sflag:$0x3] =	stream.indirect.gather [hbm4b:s3+s15], $0x40, s10, s15, $0xb8;
	[tilespmem:$0x1E400] =	vst v63  }
0x5c: {  	s8 =	sadd.s32 $0x3000, s11;
	s9 =	sadd.s32 $0x3000, s12;
	s10 =	simm.s32 $0xB80  }
0x5d: {  	[tilespmem:s24], [sflag:$0x3] =	stream.indirect.gather [hbm4b:s3+s15], $0x40, s14, s15, $0xb8;
	[tilespmem:$0x1E400] =	vst v63  }
.LBB2_2:
0x5e: {  	[tilespmem:s29], [sflag:$0x3] =	stream.indirect.gather [hbm4b:s3+s15], $0x40, s10, s15, $0xb8;
	[tilespmem:$0x1E400] =	vst v63  }
0x5f: {  	s10 =	smov.u32 s6  }
0x60: {  	p0 =	sne.s32 s6, $0x15000;
	s6 =	sadd.s32 $0x1800, s6;
	_ =	swait.ge [sflag:s1], $0x8000  }
0x61: {  	[sflag:s1] =	ssyncset.done $0x0  }
0x62: {  	[sflag:s1] =	ssyncadd.s32 $0xFFFF8000  }
0x63: {  	[hbm4b:s9+s2] =	stream.linear.scatter [tilespmem:s23], [sflag:$0x5], $0x8000, $0x38;
	[tilespmem:$0x1E400] =	vst v63  }
0x64: {  	_ =	swait.ge [sflag:s18], $0x8000  }
0x65: {  	s10 =	sshra.s32 s10, $0x2;
	[sflag:s18] =	ssyncset.done $0x0  }
0x66: {  	s14 =	sadd.s32 $0x600, s10;
	[sflag:s18] =	ssyncadd.s32 $0xFFFF8000  }
0x67: {  	[tilespmem:s16], [sflag:$0x1] =	stream.indirect.gather [hbm4b:s3+s15], $0x40, s14, s15, $0xb8;
	[tilespmem:$0x1E400] =	vst v63  }
0x68: {  	s14 =	sadd.s32 $0x680, s10  }
0x69: {  	[tilespmem:s17], [sflag:$0x1] =	stream.indirect.gather [hbm4b:s3+s15], $0x40, s14, s15, $0xb8;
	[tilespmem:$0x1E400] =	vst v63  }
0x6a: {  	s14 =	sadd.s32 $0x700, s10  }
0x6b: {  	[tilespmem:s19], [sflag:$0x1] =	stream.indirect.gather [hbm4b:s3+s15], $0x40, s14, s15, $0xb8;
	[tilespmem:$0x1E400] =	vst v63  }
0x6c: {  	s14 =	sadd.s32 $0x780, s10  }
0x6d: {  	[tilespmem:s21], [sflag:$0x1] =	stream.indirect.gather [hbm4b:s3+s15], $0x40, s14, s15, $0xb8;
	[tilespmem:$0x1E400] =	vst v63  }
0x6e: {  	_ =	swait.ge [sflag:s22], $0x8000  }
0x6f: {  	[sflag:s22] =	ssyncset.done $0x0  }
0x70: {  	[sflag:s22] =	ssyncadd.s32 $0xFFFF8000  }
0x71: {  	[hbm4b:s8+s2] =	stream.linear.scatter [tilespmem:s0], [sflag:$0x6], $0x8000, $0x38;
	[tilespmem:$0x1E400] =	vst v63  }
0x72: {  	_ =	swait.ge [sflag:s26], $0x8000  }
0x73: {  	[sflag:s26] =	ssyncset.done $0x0  }
0x74: {  	s14 =	sadd.s32 $0x800, s10;
	[sflag:s26] =	ssyncadd.s32 $0xFFFF8000  }
0x75: {  	[tilespmem:s23], [sflag:$0x2] =	stream.indirect.gather [hbm4b:s3+s15], $0x40, s14, s15, $0xb8;
	[tilespmem:$0x1E400] =	vst v63  }
0x76: {  	s14 =	sadd.s32 $0x880, s10  }
0x77: {  	[tilespmem:s25], [sflag:$0x2] =	stream.indirect.gather [hbm4b:s3+s15], $0x40, s14, s15, $0xb8;
	[tilespmem:$0x1E400] =	vst v63  }
0x78: {  	s14 =	sadd.s32 $0x900, s10  }
0x79: {  	[tilespmem:s28], [sflag:$0x2] =	stream.indirect.gather [hbm4b:s3+s15], $0x40, s14, s15, $0xb8;
	[tilespmem:$0x1E400] =	vst v63  }
0x7a: {  	s14 =	sadd.s32 $0x980, s10  }
0x7b: {  	[tilespmem:s30], [sflag:$0x2] =	stream.indirect.gather [hbm4b:s3+s15], $0x40, s14, s15, $0xb8;
	[tilespmem:$0x1E400] =	vst v63  }
0x7c: {  	_ =	swait.ge [sflag:s31], $0x8000  }
0x7d: {  	[sflag:s31] =	ssyncset.done $0x0  }
0x7e: {  	[sflag:s31] =	ssyncadd.s32 $0xFFFF8000  }
0x7f: {  	[hbm4b:s7+s2] =	stream.linear.scatter [tilespmem:s16], [sflag:$0x4], $0x8000, $0x38;
	[tilespmem:$0x1E400] =	vst v63  }
0x80: {  	_ =	swait.ge [sflag:s4], $0x8000  }
0x81: {  	[sflag:s4] =	ssyncset.done $0x0  }
0x82: {  	s14 =	sadd.s32 $0xA00, s10;
	[sflag:s4] =	ssyncadd.s32 $0xFFFF8000  }
0x83: {  	[tilespmem:s0], [sflag:$0x3] =	stream.indirect.gather [hbm4b:s3+s15], $0x40, s14, s15, $0xb8;
	[tilespmem:$0x1E400] =	vst v63  }
.Ltmp0:
0x84: {  	s14 =	sadd.s32 $0xA80, s10;
	(pc) =	sbr.rel @p0 .LBB2_2-.Ltmp0, $4  }
0x85: {  	[tilespmem:s20], [sflag:$0x3] =	stream.indirect.gather [hbm4b:s3+s15], $0x40, s14, s15, $0xb8;
	[tilespmem:$0x1E400] =	vst v63  }
0x86: {  	s7 =	sadd.s32 $0x3000, s7;
	s14 =	sadd.s32 $0xB00, s10  }
0x87: {  	[tilespmem:s24], [sflag:$0x3] =	stream.indirect.gather [hbm4b:s3+s15], $0x40, s14, s15, $0xb8;
	[tilespmem:$0x1E400] =	vst v63  }
0x88: {  	s9 =	sadd.s32 $0x3000, s9;
	s8 =	sadd.s32 $0x3000, s8;
	s10 =	sadd.s32 $0xB80, s10  }
0x89: {  	[tilespmem:s29], [sflag:$0x3] =	stream.indirect.gather [hbm4b:s3+s15], $0x40, s10, s15, $0xb8;
	[tilespmem:$0x1E400] =	vst v63  }
0x8a: {  	_ =	swait.ge [sflag:s1], $0x8000  }
0x8b: {  	[sflag:s1] =	ssyncset.done $0x0  }
0x8c: {  	s6 =	rddreg [dreg:$0x5];
	[sflag:s1] =	ssyncadd.s32 $0xFFFF8000  }
0x8d: {  	[hbm4b:s6+s2] =	stream.linear.scatter [tilespmem:s23], [sflag:$0x5], $0x8000, $0x38;
	[tilespmem:$0x1E400] =	vst v63  }
0x8e: {  	_ =	swait.ge [sflag:s18], $0x8000  }
0x8f: {  	[sflag:s18] =	ssyncset.done $0x0  }
0x90: {  	s10 =	simm.s32 $0x6000;
	[sflag:s18] =	ssyncadd.s32 $0xFFFF8000  }
0x91: {  	[tilespmem:s16], [sflag:$0x1] =	stream.indirect.gather [hbm4b:s3+s15], $0x40, s10, s15, $0xb8;
	[tilespmem:$0x1E400] =	vst v63  }
0x92: {  	s14 =	simm.s32 $0x6080  }
0x93: {  	[tilespmem:s17], [sflag:$0x1] =	stream.indirect.gather [hbm4b:s3+s15], $0x40, s14, s15, $0xb8;
	[tilespmem:$0x1E400] =	vst v63  }
0x94: {  	s7 =	simm.s32 $0x6100  }
0x95: {  	[tilespmem:s19], [sflag:$0x1] =	stream.indirect.gather [hbm4b:s3+s15], $0x40, s7, s15, $0xb8;
	[tilespmem:$0x1E400] =	vst v63  }
0x96: {  	s8 =	simm.s32 $0x6180  }
0x97: {  	[tilespmem:s21], [sflag:$0x1] =	stream.indirect.gather [hbm4b:s3+s15], $0x40, s8, s15, $0xb8;
	[tilespmem:$0x1E400] =	vst v63  }
0x98: {  	_ =	swait.ge [sflag:s22], $0x8000  }
0x99: {  	[sflag:s22] =	ssyncset.done $0x0  }
0x9a: {  	s9 =	rddreg [dreg:$0x6];
	[sflag:s22] =	ssyncadd.s32 $0xFFFF8000  }
0x9b: {  	[hbm4b:s9+s2] =	stream.linear.scatter [tilespmem:s0], [sflag:$0x6], $0x8000, $0x38;
	[tilespmem:$0x1E400] =	vst v63  }
0x9c: {  	_ =	swait.ge [sflag:s26], $0x8000  }
0x9d: {  	[sflag:s26] =	ssyncset.done $0x0  }
0x9e: {  	s10 =	simm.s32 $0x6200;
	[sflag:s26] =	ssyncadd.s32 $0xFFFF8000  }
0x9f: {  	[tilespmem:s23], [sflag:$0x2] =	stream.indirect.gather [hbm4b:s3+s15], $0x40, s10, s15, $0xb8;
	[tilespmem:$0x1E400] =	vst v63  }
0xa0: {  	s14 =	simm.s32 $0x6280  }
0xa1: {  	[tilespmem:s25], [sflag:$0x2] =	stream.indirect.gather [hbm4b:s3+s15], $0x40, s14, s15, $0xb8;
	[tilespmem:$0x1E400] =	vst v63  }
0xa2: {  	s7 =	simm.s32 $0x6300  }
0xa3: {  	[tilespmem:s28], [sflag:$0x2] =	stream.indirect.gather [hbm4b:s3+s15], $0x40, s7, s15, $0xb8;
	[tilespmem:$0x1E400] =	vst v63  }
0xa4: {  	s8 =	simm.s32 $0x6380  }
0xa5: {  	[tilespmem:s30], [sflag:$0x2] =	stream.indirect.gather [hbm4b:s3+s15], $0x40, s8, s15, $0xb8;
	[tilespmem:$0x1E400] =	vst v63  }
0xa6: {  	_ =	swait.ge [sflag:s31], $0x8000  }
0xa7: {  	[sflag:s31] =	ssyncset.done $0x0  }
0xa8: {  	s9 =	rddreg [dreg:$0x7];
	[sflag:s31] =	ssyncadd.s32 $0xFFFF8000  }
0xa9: {  	[hbm4b:s9+s2] =	stream.linear.scatter [tilespmem:s16], [sflag:$0x4], $0x8000, $0x38;
	[tilespmem:$0x1E400] =	vst v63  }
0xaa: {  	_ =	swait.ge [sflag:s4], $0x8000  }
0xab: {  	[sflag:s4] =	ssyncset.done $0x0  }
0xac: {  	[sflag:s4] =	ssyncadd.s32 $0xFFFF8000  }
0xad: {  	_ =	swait.ge [sflag:s1], $0x8000  }
0xae: {  	[sflag:s1] =	ssyncset.done $0x0  }
0xaf: {  	s10 =	rddreg [dreg:$0x8];
	[sflag:s1] =	ssyncadd.s32 $0xFFFF8000  }
0xb0: {  	[hbm4b:s10+s2] =	stream.linear.scatter [tilespmem:s23], [sflag:$0x5], $0x8000, $0x38;
	[tilespmem:$0x1E400] =	vst v63  }
0xb1: {  	_ =	swait.ge [sflag:s18], $0x8000  }
0xb2: {  	[sflag:s18] =	ssyncset.done $0x0  }
0xb3: {  	[sflag:s18] =	ssyncadd.s32 $0xFFFF8000  }
0xb4: {  	_ =	swait.ge [sflag:s26], $0x8000  }
0xb5: {  	s5 =	sadd.s32 $0x1, s5;
	s14 =	rddreg [dreg:$0x9]  }
0xb6: {  	p0 =	sne.s32 s5, s14  }
.Ltmp1:
0xb7: {  	_ = 	snop;
	(pc) =	sbr.rel @p0 .LBB2_1-.Ltmp1, $3  }
0xb8: {  	_ =	sdelay $0x1  }
0xb9: {  	[sflag:s26] =	ssyncset.done $0x0  }
0xba: {  	[sflag:s26] =	ssyncadd.s32 $0xFFFF8000  }
0xbb: {  	_ =	sfence.sel $0x180000  }
0xbc: {  	[bflag:$0x0] =	sbarrier.arrive $0xFFFF  }
0xbd: {  	_ =	strace $0x90000047  }
0xbe: {  	s0 =	stileid.u32;
	[bflag:$0x2] =	sbarrier.arrive $0xFFFF  }
0xbf: {  	p0 =	sne.s32 s0, $0x0;
	s0 =	rddreg [dreg:$0x2]  }
0xc0: {  	s0 =	sadd.s32 @!p0 $0x100000, s0  }
0xc1: {  	[sflag:s0] =	ssyncadd.tile.s32 @!p0 $0x1;
	_ =	shalt  }
.Lfunc_end2:
_tile_overlayer_lowered:
.L_overlay_start_2:
0xc2: {  	(tag) =	ssettag $0x2  }
0xc3: {  	s0 =	rddreg [dreg:$0x0];
	s2 =	stileid.u32  }
0xc4: {  	s1 =	rddreg [dreg:$0x1];
	p0 =	sne.s32 s2, $0x0  }
0xc5: {  	s3 =	rddreg [dreg:$0x2];
	[bflag:$0x3] =	sbarrier.arrive $0xFFFF;
	s2 =	simm.s32 @!p0 $0x1C07  }
0xc6: {  	[timem:s3], [sflag:s2] =	dma.local @!p0 [hbm:s0], s1  }
0xc7: {  	s0 =	simm.s32 @!p0 $0x7  }
0xc8: {  	_ =	swait.ge @!p0 [sflag:s0], s1  }
0xc9: {  	s1 =	ssub.s32 @!p0 $0x0, s1;
	[sflag:s0] =	ssyncset.done @!p0 $0x0  }
0xca: {  	[sflag:s0] =	ssyncadd.s32 @!p0 s1  }
0xcb: {  	[bflag:$0x3] =	sbarrier.arrive $0xFFFF  }
0xcc: {  	_ =	shalt  }

// kernel: sparse-core-data-format-call.cloned.1.call-start
scs
called_computation_lowered:
.L_overlay_start_0:
0x0: {  	s2 =	sld [smem:$0x3FD9]  }
0x1: {  	s3 =	sld [smem:$0x3FFE];
	_ =	sdelay $0x1  }
0x2: {  	s1 =	srdreg.scid  }
0x3: {  	s0 =	sand.u32 $0x1, s1  }
0x4: {  	s18 =	sshll.u32 s0, $0xA;
	s2 =	sadd.s32 s3, s2  }
0x5: {  	s2 =	sadd.s32 s2, s18  }
0x6: {  	[smem:$0x3FC6] =	sst s2  }
0x7: {  	_ = 	snop  }
0x8: {  	s2 =	sld [smem:$0x3FD0];
	(tm) =	ssettm $0x1  }
0x9: {  	s19 =	sld [smem:$0x3FFB];
	_ =	sdelay $0x3  }
0xa: {  	_ =	strace s19  }
0xb: {  	s3 =	sld [smem:$0x3FFC];
	_ =	sdelay $0x3  }
0xc: {  	_ =	strace s3  }
0xd: {  	s3 =	sld [smem:$0x3FFD];
	_ =	sdelay $0x3  }
0xe: {  	_ =	strace s3  }
0xf: {  	_ =	strace $0x8FFFFFFF  }
0x10: {  	s20 =	sld [smem:$0x3FDB];
	_ =	sdelay $0x1  }
0x11: {  	s4 =	simm.s32 $_scs_section_size  }
0x12: {  	s5 =	simm.s32 $_size__tile_overlayer_lowered;
	s6 =	simm.s32 $_tile_overlayer_lowered  }
0x13: {  	s23 =	simm.s32 $0x1BFF;
	s22 =	sshll.u32 s6, $0x1;
	s3 =	sadd.s32 s4, s20  }
0x14: {  	s7 =	simm.s32 $0x0;
	s21 =	sshll.u32 s5, $0x1;
	s5 =	sadd.s32 s22, s3  }
0x15: {  	[timem:s7], [sflag:s23] =	dma.local [hbm:s5], s21  }
0x16: {  	_ =	swait.ge [sflag:s23], s21  }
0x17: {  	s4 =	ssub.s32 $0x0, s21;
	[sflag:s23] =	ssyncset.done $0x0  }
0x18: {  	[sflag:s23] =	ssyncadd.s32 s4;
	_ =	sdelay $0x1  }
0x19: {  	s24 =	simm.s32 $0x1B8B  }
0x1a: {  	_ =	swait.ge [sflag:s24], $0x1  }
0x1b: {  	[sflag:s24] =	ssyncset.done $0x0  }
0x1c: {  	s26 =	simm.s32 $0x1B8E;
	s25 =	sld [smem:$0x3FFE];
	[sflag:s24] =	ssyncadd.s32 $0xFFFFFFFF  }
0x1d: {  	s27 =	simm.s32 $execute0_lowered;
	[smem:$0x3FD2] =	sst s26  }
0x1e: {  	s5 =	sshll.u32 s27, $0x1;
	_ =	strace $0x80000049;
	[dreg:$0x1] =	wrdreg $0xFFFFFFFF  }
0x1f: {  	s28 =	simm.s32 $_size_execute0_lowered;
	s3 =	sadd.s32 s3, s5;
	[dreg:$0x0] =	wrdreg $0x0  }
0x20: {  	s5 =	sshll.u32 s28, $0x1;
	[dreg:$0x2] =	wrdreg s3  }
0x21: {  	[dreg:$0x3] =	wrdreg s5  }
0x22: {  	[dreg:$0x4] =	wrdreg $0xC0  }
0x23: {  	_ =	task [dreg:s7], $0x5FFFF  }
0x24: {  	[dreg:$0x1] =	wrdreg $0xFFFFFFFF  }
0x25: {  	[dreg:$0x0] =	wrdreg $0x60  }
0x26: {  	[dreg:$0x2] =	wrdreg s25  }
0x27: {  	[dreg:$0x3] =	wrdreg s2  }
0x28: {  	[dreg:$0x4] =	wrdreg $0x9  }
0x29: {  	_ =	task.clear_ibuf [dreg:s7], $0x5FFFF;
	_ =	strace $0x90000049  }
0x2a: {  	s29 =	simm.s32 $0x9;
	_ =	strace $0x8000004B  }
0x2b: {  	_ =	swait.ge [sflag:s29], $0x1  }
0x2c: {  	[sflag:s29] =	ssyncadd.s32 $0xFFFFFFFF  }
0x2d: {  	_ =	strace $0x9000004B  }
0x2e: {  	_ =	sfence  }
0x2f: {  	s30 =	sld [smem:$0x0];
	_ =	sdelay $0x2  }
0x30: {  	s31 =	sshll.u32 s1, $0xD;
	s1 =	sshrl.u32 s1, $0x2  }
0x31: {  	s3 =	sand.u32 $0x4000, s31;
	s1 =	sadd.s32 s1, s30  }
0x32: {  	s0 =	sor.u32 s3, s0;
	s1 =	sshll.u32 s1, $0x11  }
0x33: {  	s0 =	sor.u32 s1, s0  }
0x34: {  	s0 =	sadd.s32 $0x8F2B, s0  }
0x35: {  	[sflag:s0] =	ssyncadd.remote.s32 $0x1  }
0x36: {  	_ =	sfence.sel $0xFFFF  }
0x37: {  	[dreg:$0x0] =	wrdreg $0xFFFFFFFF;
	(pc) =	sbr.abs _section_cstart, $3  }
0x38: {  	[dreg:$0x1] =	wrdreg $0xFFFFFFFF  }
0x39: {  	_ =	task.clear_ibuf [dreg:s7], $0x2FFFF;
	_ =	strace $0x9FFFFFFF  }
0x3a: {  	(tm) =	ssettm $0x7FFFFFFF  }
0x3b: {  	_ =	shalt  }
tec
execute0_lowered:
.L_overlay_start_1:
0x0: {  	(tag) =	ssettag $0x1  }
0x1: {  	s0 =	srdreg.scid  }
0x2: {  	s1 =	sshll.u32 s0, $0x4  }
0x3: {  	s0 =	stileid.u32;
	s1 =	sand.u32 $0x10, s1  }
0x4: {  	s1 =	sor.u32 s0, s1  }
0x5: {  	s6 =	rddreg [dreg:$0x0];
	s4 =	simm.s32 $0x1;
	s2 =	sshll.u32 s1, $0x7  }
0x6: {  	s7 =	simm.s32 $0x2;
	s12 =	simm.s32 $0x0;
	s1 =	ssub.s32 $0x1000, s2  }
0x7: {  	s8 =	simm.s32 $0x8000;
	s13 =	simm.s32 $0x0;
	s3 =	sand.u32 $0xF80, s1  }
0x8: {  	s9 =	simm.s32 $0x0;
	s5 =	sshrl.u32 s1, $0xC;
	p0 =	sne.s32 s3, $0x0  }
.Ltmp0:
0x9: {  	s1 =	rddreg [dreg:$0x2];
	s4 =	simm.s32 @!p0 $0x0;
	(pc) =	sbr.rel .LBB1_1-.Ltmp0, $4  }
0xa: {  	s11 =	simm.s32 $0x0;
	s3 =	rddreg [dreg:$0x1];
	s5 =	sadd.s32 s4, s5  }
0xb: {  	_ =	strace $0x8000004A;
	s4 =	simm.s32 $0x1;
	s5 =	smul.u32 $0xC8, s5  }
0xc: {  	s6 =	sadd.s32 $0x800, s6;
	s10 =	smov.u32 s2;
	[sflag:s4] =	ssyncpa.u1 $0x0  }
0xd: {  	p0 =	por $0x0, $0x0;
	[sflag:s7] =	ssyncpa.u1 $0x0;
	s7 =	sor.u32 $0x1, s5  }
.LBB1_4:
0xe: {  	s16 =	sshll.u32 s13, $0x3;
	s17 =	sand.u32 $0x78, s13  }
0xf: {  	s30 =	sand.u32 $0x7E00, s13;
	s12 =	sshll.u32 s12, $0xF;
	s16 =	sand.u32 $0xC00, s16  }
0x10: {  	[tilespmem:s15+$0x810 ss:$0x81] =	vst.msk $0xffff, v2;
	s31 =	sand.u32 $0x7, s13;
	s16 =	sor.u32 s17, s16;
	s17 =	sadd.s32 s3, s30  }
0x11: {  	[tilespmem:s15+$0x1020 ss:$0x81] =	vst.msk $0xffff, v0;
	s13 =	sshll.u32 s31, $0x12;
	s12 =	sadd.s32 s12, s17;
	s16 =	sshrl.u32 s16, $0x3  }
0x12: {  	[tilespmem:s15+$0x0 ss:$0x81] =	vst.msk $0xffff, v1;
	s13 =	sor.u32 $0x400, s13;
	s12 =	sadd.s32 s16, s12  }
0x13: {  	[hbm4b:s12+s13] =	stream.strided.scatter [tilespmem:s14], [sflag:$0x2], $0x2000, s8, s13, $0x20;
	[tilespmem:$0x8080] =	vst v63  }
.LBB1_5:
0x14: {  	s14 =	sadd.s32 $0x1, s9  }
0x15: {  	s12 =	sadd.s32 $0x1000, s10;
	s16 =	smov.u32 s10;
	p2 =	sgt.s32 s14, $0xC7  }
0x16: {  	s16 =	smov.u32 @p2 s12  }
0x17: {  	s14 =	simm.s32 @p2 $0x0;
	p2 =	sgt.s32 s16, $0xFFF  }
0x18: {  	s16 =	smov.u32 @p2 s2;
	p2 =	sne.s32 s11, s7  }
.Ltmp1:
0x19: {  	p1 =	slt.u32 s11, $0x2;
	(pc) =	sbr.rel @!p2 .LBB1_6-.Ltmp1, $4  }
0x1a: {  	s15 =	simm.s32 @!p1 $0x2  }
0x1b: {  	s13 =	smov.u32 s10;
	p0 =	por !p0, !p0;
	_ =	swait.ge @!p1 [sflag:s15], $0x2000  }
0x1c: {  	s12 =	smov.u32 s9;
	[sflag:s15] =	ssyncset.done @!p1 $0x0;
	s9 =	smov.u32 s14  }
0x1d: {  	s11 =	sadd.s32 $0x1, s11;
	[sflag:s15] =	ssyncadd.s32 @!p1 $0xFFFFE000;
	s10 =	smov.u32 s16  }
.LBB1_1:
0x1e: {  	p1 =	sge.u32 s11, s5  }
0x1f: {  	s14 =	sand.u32 @!p1 $0x1FFFFFF, s9  }
0x20: {  	s15 =	smulhi.u32 @!p1 $0x147AE15, s14;
	_ =	sdelay $0x1  }
0x21: {  	s15 =	smul.u32 @!p1 $0xC8, s15  }
0x22: {  	s16 =	sxor.u32 @!p1 $0xFFFFFFFF, s11;
	s17 =	smul.u32 @!p1 $0xC80, s10  }
0x23: {  	s31 =	sadd.s32 $0xFFFFFFFF, s11;
	s16 =	sshll.u32 @!p1 s16, $0xD;
	s14 =	ssub.s32 @!p1 s14, s15  }
0x24: {  	s15 =	sand.u32 @!p1 $0x2000, s16;
	s16 =	sadd.s32 @!p1 s6, s17;
	s14 =	sshll.u32 @!p1 s14, $0x4  }
0x25: {  	s17 =	simm.s32 @!p1 $0x6400;
	s14 =	sadd.s32 @!p1 s14, s16;
	s16 =	simm.s32 @!p1 $0x40  }
0x26: {  	[tilespmem:s15], [sflag:$0x1] =	stream.strided.gather @!p1 [hbm4b:s14+s16], $0x2000, s17, s16, $0x38;
	[tilespmem:$0x8080] =	vst v63  }
0x27: {  	p1 =	sge.u32 s31, s5  }
.Ltmp2:
0x28: {  	_ = 	snop;
	(pc) =	sbr.rel @p1 .LBB1_5-.Ltmp2, $1  }
0x29: {  	_ =	sdelay $0x3  }
0x2a: {  	s14 =	simm.s32 $0x1  }
0x2b: {  	_ =	swait.ge [sflag:s4], $0x2000;
	s14 =	simm.s32 @!p0 $0x0  }
0x2c: {  	[sflag:s4] =	ssyncset.done $0x0;
	s15 =	sshll.u32 s14, $0xD  }
0x2d: {  	[sflag:s4] =	ssyncadd.s32 $0xFFFFE000;
	s18 =	sor.u32 $0x20, s15  }
0x2e: {  	s14 =	smul.u32 $0x8100, s14;
	v3 =	vld [tilespmem:s18+$0x10]  }
0x2f: {  	s30 =	sand.u32 $0x1, s11;
	v2 =	vld [tilespmem:s18+$0xFFFFFFF0]  }
0x30: {  	s15 =	smul.u32 $0x8100, s30;
	s14 =	sshrl.u32 s14, $0x2;
	v0 =	vld [tilespmem:s18+$0x0]  }
0x31: {  	v1 =	vld [tilespmem:s18+$0xFFFFFFE0];
	s16 =	sor.u32 $0x4000, s14  }
0x32: {  	s31 =	sshrl.u32 s15, $0x2;
	s15 =	sadd.s32 $0x0, s16  }
0x33: {  	s17 =	simm.s32 $0x4;
	s18 =	sadd.s32 $0x40, s18;
	s14 =	sor.u32 $0x4000, s31;
	[tilespmem:s15+$0x1830 ss:$0x81] =	vst.msk $0xffff, v3  }
.LBB1_3:
0x34: {  	v3 =	vld [tilespmem:s18+$0x10];
	p1 =	sne.s32 s17, $0x1FC;
	[tilespmem:s15+$0x810 ss:$0x81] =	vst.msk $0xffff, v2;
	s19 =	smov.u32 s17;
	s17 =	sadd.s32 $0x4, s17  }
.Ltmp3:
0x35: {  	v2 =	vld [tilespmem:s18+$0xFFFFFFF0];
	[tilespmem:s15+$0x1020 ss:$0x81] =	vst.msk $0xffff, v0;
	(pc) =	sbr.rel @p1 .LBB1_3-.Ltmp3, $4  }
0x36: {  	v0 =	vld [tilespmem:s18+$0x0];
	[tilespmem:s15+$0x0 ss:$0x81] =	vst.msk $0xffff, v1  }
0x37: {  	s15 =	sshra.s32 s19, $0x2;
	v1 =	vld [tilespmem:s18+$0xFFFFFFE0]  }
0x38: {  	s15 =	sadd.s32 s15, s16  }
0x39: {  	s18 =	sadd.s32 $0x40, s18;
	[tilespmem:s15+$0x1830 ss:$0x81] =	vst.msk $0xffff, v3  }
.Ltmp4:
0x3a: {  	_ = 	snop;
	(pc) =	sbr.rel .LBB1_4-.Ltmp4, $1  }
0x3b: {  	_ =	sdelay $0x3  }
.LBB1_6:
0x3c: {  	_ =	sfence.sel $0x180000  }
0x3d: {  	s2 =	simm.s32 $0x1;
	[bflag:$0x0] =	sbarrier.arrive $0xFFFF  }
0x3e: {  	s31 =	simm.s32 $0x2;
	[sflag:s2] =	ssyncpa.u1 $0x1  }
0x3f: {  	[sflag:s31] =	ssyncpa.u1 $0x1  }
0x40: {  	p0 =	sne.s32 s0, $0x0;
	_ =	strace $0x9000004A  }
0x41: {  	s0 =	sadd.s32 @!p0 $0x100000, s1;
	[bflag:$0x2] =	sbarrier.arrive $0xFFFF  }
0x42: {  	[sflag:s0] =	ssyncadd.tile.s32 @!p0 $0x1;
	_ =	shalt  }
.Lfunc_end1:
_tile_overlayer_lowered:
.L_overlay_start_2:
0x43: {  	(tag) =	ssettag $0x2  }
0x44: {  	s0 =	rddreg [dreg:$0x0];
	s2 =	stileid.u32  }
0x45: {  	s1 =	rddreg [dreg:$0x1];
	p0 =	sne.s32 s2, $0x0  }
0x46: {  	s3 =	rddreg [dreg:$0x2];
	[bflag:$0x3] =	sbarrier.arrive $0xFFFF;
	s2 =	simm.s32 @!p0 $0x1C01  }
0x47: {  	[timem:s3], [sflag:s2] =	dma.local @!p0 [hbm:s0], s1  }
0x48: {  	s0 =	simm.s32 @!p0 $0x1  }
0x49: {  	_ =	swait.ge @!p0 [sflag:s0], s1  }
0x4a: {  	s1 =	ssub.s32 @!p0 $0x0, s1;
	[sflag:s0] =	ssyncset.done @!p0 $0x0  }
0x4b: {  	[sflag:s0] =	ssyncadd.s32 @!p0 s1  }
0x4c: {  	[bflag:$0x3] =	sbarrier.arrive $0xFFFF  }
0x4d: {  	_ =	shalt  }

</sc_bundles>
